<compile_context>
chip_gen: v7x
topology: tpu7x:2x2x1
jax: 0.10.2.dev20260603
libtpu: 0.0.44.dev20260713+nightly
codegen_flags: <defaults>
</compile_context>

<pallas_src>
import functools

import jax
import jax.numpy as jnp
from jax import lax
from jax.experimental import pallas as pl
from jax.experimental.pallas import tpu as pltpu
from jax.experimental.pallas import tpu_sc as plsc

VOCAB = 1000000
EMB = 64
HID = 256
NCLS = 3
B = 4096
T = 200

NC = 2
NS = 16
NW = NC * NS
BPW = B // NW

K1 = 128
K2 = T - K1

_sc_mesh = plsc.VectorSubcoreMesh(
    core_axis_name="c", subcore_axis_name="s", num_cores=NC, num_subcores=NS
)


NBUF = 4


@functools.partial(
    pl.kernel,
    out_type=jax.ShapeDtypeStruct((B, EMB), jnp.float32),
    mesh=_sc_mesh,
    compiler_params=pltpu.CompilerParams(use_tc_tiling_on_sc=False),
    scratch_types=[
        pltpu.VMEM((BPW * T,), jnp.int32),
        [pltpu.VMEM((K1, EMB), jnp.float32)] * NBUF,
        [pltpu.VMEM((K2, EMB), jnp.float32)] * NBUF,
        pltpu.VMEM((BPW, EMB), jnp.float32),
        [pltpu.SemaphoreType.DMA] * NBUF,
    ],
)
def _sc_pool(ids_hbm, table_hbm, out_hbm, idx_v, bufs1, bufs2, acc_v, sems):
    wid = lax.axis_index("s") * NC + lax.axis_index("c")
    base = wid * BPW
    pltpu.sync_copy(ids_hbm.at[pl.ds(base * T, BPW * T)], idx_v)

    def trans_body(i, _):
        v = idx_v[pl.ds(i * 16, 16)]
        g = (v & -RPT_BLK) + ((v & (RPT_HALF - 1)) << 1) + ((v >> 13) & 1)
        idx_v[pl.ds(i * 16, 16)] = g
        return 0

    lax.fori_loop(0, BPW * T // 16, trans_body, 0)

    def fire(b, slot):
        off = pl.multiple_of(b * T, 8)
        pltpu.async_copy(
            table_hbm.at[idx_v.at[pl.ds(off, K1)]], bufs1[slot], sems[slot])
        pltpu.async_copy(
            table_hbm.at[idx_v.at[pl.ds(off + K1, K2)]], bufs2[slot], sems[slot])

    def drain(slot):
        pltpu.make_async_copy(
            table_hbm.at[idx_v.at[pl.ds(0, K1)]], bufs1[slot], sems[slot]).wait()
        pltpu.make_async_copy(
            table_hbm.at[idx_v.at[pl.ds(K1, K2)]], bufs2[slot], sems[slot]).wait()

    for s in range(NBUF - 1):
        fire(s, s)

    def group_body(g, _):
        b0 = g * NBUF
        for j in range(NBUF):
            b = b0 + j
            nxt = b + NBUF - 1

            @pl.when(nxt < BPW)
            def _():
                fire(nxt, (j + NBUF - 1) % NBUF)

            drain(j)

            def body(t, c):
                a0, a1, a2, a3 = c
                a0 = a0 + bufs1[j][t, pl.ds(0, 16)]
                a1 = a1 + bufs1[j][t, pl.ds(16, 16)]
                a2 = a2 + bufs1[j][t, pl.ds(32, 16)]
                a3 = a3 + bufs1[j][t, pl.ds(48, 16)]
                return (a0, a1, a2, a3)

            def body2(t, c):
                a0, a1, a2, a3 = c
                a0 = a0 + bufs2[j][t, pl.ds(0, 16)]
                a1 = a1 + bufs2[j][t, pl.ds(16, 16)]
                a2 = a2 + bufs2[j][t, pl.ds(32, 16)]
                a3 = a3 + bufs2[j][t, pl.ds(48, 16)]
                return (a0, a1, a2, a3)

            z = jnp.zeros((16,), jnp.float32)
            acc = lax.fori_loop(0, K1, body, (z, z, z, z))
            acc = lax.fori_loop(0, K2, body2, acc)
            acc_v[b, pl.ds(0, 16)] = acc[0]
            acc_v[b, pl.ds(16, 16)] = acc[1]
            acc_v[b, pl.ds(32, 16)] = acc[2]
            acc_v[b, pl.ds(48, 16)] = acc[3]
        return 0

    lax.fori_loop(0, BPW // NBUF, group_body, 0)
    pltpu.sync_copy(acc_v, out_hbm.at[pl.ds(base, BPW)])


RPT_BLK = 16384
RPT_HALF = RPT_BLK // 2
RPT_GRID = pl.cdiv(VOCAB, RPT_BLK)
VROWS = RPT_GRID * RPT_BLK


def _repack_body(in_ref, out_ref):
    x = in_ref[...]
    out_ref[:, 0:EMB] = jnp.transpose(x[:, 0:RPT_HALF])
    out_ref[:, EMB:2 * EMB] = jnp.transpose(x[:, RPT_HALF:RPT_BLK])


def _repack(table):
    tT = jnp.swapaxes(table, 0, 1)
    return pl.pallas_call(
        _repack_body,
        grid=(RPT_GRID,),
        in_specs=[pl.BlockSpec((EMB, RPT_BLK), lambda j: (0, j))],
        out_specs=pl.BlockSpec((RPT_HALF, 2 * EMB), lambda j: (j, 0)),
        out_shape=jax.ShapeDtypeStruct((RPT_GRID * RPT_HALF, 2 * EMB), jnp.float32),
    )(tT)


def _mlp_body(ids_ref, ps_ref, w1_ref, b1_ref, w2_ref, b2_ref, wc_ref, bc_ref,
              out_ref):
    cnt = jnp.sum((ids_ref[...] != 0).astype(jnp.float32), axis=1, keepdims=True)
    pooled = ps_ref[...] / jnp.maximum(cnt, 1.0)
    h = jnp.dot(pooled, w1_ref[...], preferred_element_type=jnp.float32)
    h = jnp.maximum(h + b1_ref[...], 0.0)
    h = jnp.dot(h, w2_ref[...], preferred_element_type=jnp.float32)
    h = jnp.maximum(h + b2_ref[...], 0.0)
    out_ref[...] = jnp.dot(h, wc_ref[...], preferred_element_type=jnp.float32) + bc_ref[...]


def _mlp(input_ids, pooled_sum, W1, b1, W2, b2, Wc, bc):
    blk = 1024
    grid = (B // blk,)
    return pl.pallas_call(
        _mlp_body,
        grid=grid,
        in_specs=[
            pl.BlockSpec((blk, T), lambda i: (i, 0)),
            pl.BlockSpec((blk, EMB), lambda i: (i, 0)),
            pl.BlockSpec((EMB, HID), lambda i: (0, 0)),
            pl.BlockSpec((1, HID), lambda i: (0, 0)),
            pl.BlockSpec((HID, HID), lambda i: (0, 0)),
            pl.BlockSpec((1, HID), lambda i: (0, 0)),
            pl.BlockSpec((HID, NCLS), lambda i: (0, 0)),
            pl.BlockSpec((1, NCLS), lambda i: (0, 0)),
        ],
        out_specs=pl.BlockSpec((blk, NCLS), lambda i: (i, 0)),
        out_shape=jax.ShapeDtypeStruct((B, NCLS), jnp.float32),
    )(input_ids, pooled_sum, W1, b1.reshape(1, HID), W2, b2.reshape(1, HID),
      Wc, bc.reshape(1, NCLS))


def kernel(input_ids, table, W1, b1, W2, b2, Wc, bc):
    tlin = jnp.reshape(_repack(table), (VROWS, EMB))
    pooled_sum = _sc_pool(jnp.reshape(input_ids, (-1,)), tlin)
    return _mlp(input_ids, pooled_sum, W1, b1, W2, b2, Wc, bc)

# --- scband reference (transcript-rebuilt; emitter-appended) ---
"""Pipeline reference for scband-language-classifier-56135222558729 (READ-ONLY COPY).

The authoritative reference and input builder live on the scoring server;
editing this copy changes nothing except your own understanding.
"""

import jax, jax.numpy as jnp
import numpy as np

VOCAB = 1000000
EMB = 64
HID = 256
NCLS = 3
B = 4096
T = 200
PAD = 0

def _xavier(key, fan_in, fan_out):
    lim = float(np.sqrt(6.0 / (fan_in + fan_out)))
    return jax.random.uniform(key, (fan_in, fan_out), minval=-lim, maxval=lim, dtype=jnp.float32)

def setup_inputs(seed: int = 0) -> dict:
    key = jax.random.key(seed)
    ks = jax.random.split(key, 6)
    input_ids = jax.random.randint(ks[0], (B, T), 0, VOCAB)
    table = jax.random.uniform(ks[1], (VOCAB, EMB), minval=-0.1, maxval=0.1, dtype=jnp.float32)
    table = table.at[PAD].set(0.0)
    W1 = _xavier(ks[2], EMB, HID)
    b1 = jnp.zeros((HID,), jnp.float32)
    W2 = _xavier(ks[3], HID, HID)
    b2 = jnp.zeros((HID,), jnp.float32)
    Wc = _xavier(ks[4], HID, NCLS)
    bc = jnp.zeros((NCLS,), jnp.float32)
    return {"input_ids": input_ids, "table": table, "W1": W1, "b1": b1, "W2": W2, "b2": b2, "Wc": Wc, "bc": bc}

def reference(input_ids, table, W1, b1, W2, b2, Wc, bc):
    # embedding lookup (gather)
    emb = jnp.take(table, input_ids, axis=0)  # [B, T, E]
    # mean pooling over non-padding tokens (eval mode: dropout is identity)
    mask = (input_ids != PAD).astype(emb.dtype)[..., None]  # [B, T, 1]
    masked = emb * mask
    lengths = jnp.clip(jnp.sum(mask, axis=1), 1.0, None)  # [B, 1]
    pooled = jnp.sum(masked, axis=1) / lengths  # [B, E]
    h = jax.nn.relu(pooled @ W1 + b1)
    h = jax.nn.relu(h @ W2 + b2)
    logits = h @ Wc + bc  # [B, NCLS]
    return logits

if __name__ == "__main__":
    import jax
    _d = setup_inputs()
    print(jax.jit(kernel)(*tuple(_d.values())))

</pallas_src>

<mosaic_0001>
#map = affine_map<(d0, d1) -> (0)>
#map1 = affine_map<(d0, d1) -> (0, 0)>
module attributes {stable_mosaic.version = 14 : i64} {
  func.func @_sc_pool(%arg0: i32, %arg1: i32, %arg2: memref<819200xi32, #tpu.memory_space<hbm>>, %arg3: memref<1015808x64xf32, #tpu.memory_space<hbm>>, %arg4: memref<4096x64xf32, #tpu.memory_space<hbm>>, %arg5: memref<25600xi32, #tpu.memory_space<vmem>>, %arg6: memref<128x64xf32, #tpu.memory_space<vmem>>, %arg7: memref<128x64xf32, #tpu.memory_space<vmem>>, %arg8: memref<128x64xf32, #tpu.memory_space<vmem>>, %arg9: memref<128x64xf32, #tpu.memory_space<vmem>>, %arg10: memref<72x64xf32, #tpu.memory_space<vmem>>, %arg11: memref<72x64xf32, #tpu.memory_space<vmem>>, %arg12: memref<72x64xf32, #tpu.memory_space<vmem>>, %arg13: memref<72x64xf32, #tpu.memory_space<vmem>>, %arg14: memref<128x64xf32, #tpu.memory_space<vmem>>, %arg15: memref<!tpu.dma_semaphore, #tpu.memory_space<semaphore_mem>>, %arg16: memref<!tpu.dma_semaphore, #tpu.memory_space<semaphore_mem>>, %arg17: memref<!tpu.dma_semaphore, #tpu.memory_space<semaphore_mem>>, %arg18: memref<!tpu.dma_semaphore, #tpu.memory_space<semaphore_mem>>) attributes {dimension_semantics = [#tpu.dimension_semantics<core_parallel>, #tpu.dimension_semantics<subcore_parallel>], iteration_bounds = array<i64: 2, 16>, scalar_prefetch = 0 : i64, scratch_operands = 14 : i64, tpu.core_type = #tpu.core_type<sc_vector_subcore>, window_params = [{transform_indices = #map}, {transform_indices = #map1}, {transform_indices = #map1}]} {
    %mul3A = arith.constant 2 : i32
    %mul3A_0 = arith.muli %arg1, %mul3A : i32
    %add3A = arith.addi %mul3A_0, %arg0 : i32
    %mul3A_1 = arith.constant 128 : i32
    %mul3A_2 = arith.muli %add3A, %mul3A_1 : i32
    %mul3A_3 = arith.constant 200 : i32
    %mul3A_4 = arith.muli %mul3A_2, %mul3A_3 : i32
    "tpu.region"() ({
      %run_scoped3A = tpu.sem_alloc : memref<!tpu.dma_semaphore, #tpu.memory_space<semaphore_mem>>
      %dma_start3A_52 = tpu.memref_slice %arg2[%mul3A_4] : memref<819200xi32, #tpu.memory_space<hbm>> -> memref<25600xi32, #tpu.memory_space<hbm>>
      %dma_start3A_53 = tpu.memref_slice %arg2[%mul3A_4] : memref<819200xi32, #tpu.memory_space<hbm>> -> memref<25600xi32, #tpu.memory_space<hbm>>
      tpu.enqueue_dma source(%dma_start3A_53 : memref<25600xi32, #tpu.memory_space<hbm>>) target(%arg5 : memref<25600xi32, #tpu.memory_space<vmem>>) target_semaphore(%run_scoped3A : memref<!tpu.dma_semaphore, #tpu.memory_space<semaphore_mem>>)
      %dma_wait3A = tpu.memref_slice %arg2[%mul3A_4] : memref<819200xi32, #tpu.memory_space<hbm>> -> memref<25600xi32, #tpu.memory_space<hbm>>
      %dma_wait3A_54 = tpu.memref_slice %arg2[%mul3A_4] : memref<819200xi32, #tpu.memory_space<hbm>> -> memref<25600xi32, #tpu.memory_space<hbm>>
      tpu.wait_dma2 semaphore(%run_scoped3A : memref<!tpu.dma_semaphore, #tpu.memory_space<semaphore_mem>>) src(%dma_wait3A_54 : memref<25600xi32, #tpu.memory_space<hbm>>) dst(%arg5 : memref<25600xi32, #tpu.memory_space<vmem>>)
      tpu.yield
    }) : () -> ()
    %scan3A = arith.constant 0 : i32
    %scan3A_5 = arith.constant 0 : i32
    %scan3A_6 = arith.constant 1600 : i32
    %scan3A_7 = arith.addi %scan3A_5, %scan3A_6 : i32
    %scan3A_8 = arith.constant 1 : i32
    %scan3A_9 = scf.for %scan3A_52 = %scan3A_5 to %scan3A_7 step %scan3A_8 iter_args(%scan3A_53 = %scan3A) -> (i32)  : i32 {
      %mul3A_54 = arith.constant 16 : i32
      %mul3A_55 = arith.muli %scan3A_52, %mul3A_54 : i32
      %get3A = arith.index_cast %mul3A_55 : i32 to index
      %get3A_56 = tpu.vector_load %arg5[%get3A] {strides = array<i32>} : memref<25600xi32, #tpu.memory_space<vmem>>, vector<16xi32>,
      %get3A_57 = vector.shape_cast %get3A_56 : vector<16xi32> to vector<16xi32>
      %and3A = arith.constant -16384 : i32
      %and3A_58 = vector.broadcast %and3A : i32 to vector<16xi32>
      %and3A_59 = arith.andi %get3A_57, %and3A_58 : vector<16xi32>
      %and3A_60 = arith.constant 8191 : i32
      %and3A_61 = vector.broadcast %and3A_60 : i32 to vector<16xi32>
      %and3A_62 = arith.andi %get3A_57, %and3A_61 : vector<16xi32>
      %shift_left3A = arith.constant 1 : i32
      %shift_left3A_63 = vector.broadcast %shift_left3A : i32 to vector<16xi32>
      %shift_left3A_64 = arith.shli %and3A_62, %shift_left3A_63 : vector<16xi32>
      %add3A_65 = arith.addi %and3A_59, %shift_left3A_64 : vector<16xi32>
      %shift_right_arithmetic3A = arith.constant 13 : i32
      %shift_right_arithmetic3A_66 = vector.broadcast %shift_right_arithmetic3A : i32 to vector<16xi32>
      %shift_right_arithmetic3A_67 = arith.shrsi %get3A_57, %shift_right_arithmetic3A_66 : vector<16xi32>
      %and3A_68 = arith.constant 1 : i32
      %and3A_69 = vector.broadcast %and3A_68 : i32 to vector<16xi32>
      %and3A_70 = arith.andi %shift_right_arithmetic3A_67, %and3A_69 : vector<16xi32>
      %add3A_71 = arith.addi %add3A_65, %and3A_70 : vector<16xi32>
      %mul3A_72 = arith.constant 16 : i32
      %mul3A_73 = arith.muli %scan3A_52, %mul3A_72 : i32
      %swap3A = arith.index_cast %mul3A_73 : i32 to index
      %swap3A_74 = tpu.vector_load %arg5[%swap3A] {strides = array<i32>} : memref<25600xi32, #tpu.memory_space<vmem>>, vector<16xi32>,
      %swap3A_75 = vector.shape_cast %swap3A_74 : vector<16xi32> to vector<16xi32>
      %swap3A_76 = vector.shape_cast %add3A_71 : vector<16xi32> to vector<16xi32>
      tpu.vector_store %arg5[%swap3A], %swap3A_76 {strides = array<i32>} : memref<25600xi32, #tpu.memory_space<vmem>>, vector<16xi32>,
      %scan3A_77 = arith.constant 0 : i32
      scf.yield %scan3A_77 : i32
    }
    %scan3A_10 = arith.constant 1600 : i32
    %multiple_of3A = arith.constant 0 : i32
    %multiple_of3A_11 = tpu.assume_multiple %multiple_of3A, 8 : i32
    %dma_start3A = tpu.memref_slice %arg5[%multiple_of3A_11] : memref<25600xi32, #tpu.memory_space<vmem>> -> memref<128xi32, #tpu.memory_space<vmem>>
    %dma_start3A_12 = arith.constant 0 : i32
    %dma_start3A_13 = arith.constant 0 : i32
    %dma_start3A_14 = tpu.memref_slice %arg3[%dma_start3A_12, %dma_start3A_13] : memref<1015808x64xf32, #tpu.memory_space<hbm>> -> memref<1015808x64xf32, #tpu.memory_space<hbm>>
    tpu.enqueue_indirect_dma source(%dma_start3A_14 : memref<1015808x64xf32, #tpu.memory_space<hbm>>) target(%arg6 : memref<128x64xf32, #tpu.memory_space<vmem>>) offsets(%dma_start3A : memref<128xi32, #tpu.memory_space<vmem>>) semaphore(%arg15 : memref<!tpu.dma_semaphore, #tpu.memory_space<semaphore_mem>>)
    %add3A_15 = arith.constant 128 : i32
    %add3A_16 = arith.addi %multiple_of3A_11, %add3A_15 : i32
    %dma_start3A_17 = tpu.memref_slice %arg5[%add3A_16] : memref<25600xi32, #tpu.memory_space<vmem>> -> memref<72xi32, #tpu.memory_space<vmem>>
    %dma_start3A_18 = arith.constant 0 : i32
    %dma_start3A_19 = arith.constant 0 : i32
    %dma_start3A_20 = tpu.memref_slice %arg3[%dma_start3A_18, %dma_start3A_19] : memref<1015808x64xf32, #tpu.memory_space<hbm>> -> memref<1015808x64xf32, #tpu.memory_space<hbm>>
    tpu.enqueue_indirect_dma source(%dma_start3A_20 : memref<1015808x64xf32, #tpu.memory_space<hbm>>) target(%arg10 : memref<72x64xf32, #tpu.memory_space<vmem>>) offsets(%dma_start3A_17 : memref<72xi32, #tpu.memory_space<vmem>>) semaphore(%arg15 : memref<!tpu.dma_semaphore, #tpu.memory_space<semaphore_mem>>)
    %multiple_of3A_21 = arith.constant 200 : i32
    %multiple_of3A_22 = tpu.assume_multiple %multiple_of3A_21, 8 : i32
    %dma_start3A_23 = tpu.memref_slice %arg5[%multiple_of3A_22] : memref<25600xi32, #tpu.memory_space<vmem>> -> memref<128xi32, #tpu.memory_space<vmem>>
    %dma_start3A_24 = arith.constant 0 : i32
    %dma_start3A_25 = arith.constant 0 : i32
    %dma_start3A_26 = tpu.memref_slice %arg3[%dma_start3A_24, %dma_start3A_25] : memref<1015808x64xf32, #tpu.memory_space<hbm>> -> memref<1015808x64xf32, #tpu.memory_space<hbm>>
    tpu.enqueue_indirect_dma source(%dma_start3A_26 : memref<1015808x64xf32, #tpu.memory_space<hbm>>) target(%arg7 : memref<128x64xf32, #tpu.memory_space<vmem>>) offsets(%dma_start3A_23 : memref<128xi32, #tpu.memory_space<vmem>>) semaphore(%arg16 : memref<!tpu.dma_semaphore, #tpu.memory_space<semaphore_mem>>)
    %add3A_27 = arith.constant 128 : i32
    %add3A_28 = arith.addi %multiple_of3A_22, %add3A_27 : i32
    %dma_start3A_29 = tpu.memref_slice %arg5[%add3A_28] : memref<25600xi32, #tpu.memory_space<vmem>> -> memref<72xi32, #tpu.memory_space<vmem>>
    %dma_start3A_30 = arith.constant 0 : i32
    %dma_start3A_31 = arith.constant 0 : i32
    %dma_start3A_32 = tpu.memref_slice %arg3[%dma_start3A_30, %dma_start3A_31] : memref<1015808x64xf32, #tpu.memory_space<hbm>> -> memref<1015808x64xf32, #tpu.memory_space<hbm>>
    tpu.enqueue_indirect_dma source(%dma_start3A_32 : memref<1015808x64xf32, #tpu.memory_space<hbm>>) target(%arg11 : memref<72x64xf32, #tpu.memory_space<vmem>>) offsets(%dma_start3A_29 : memref<72xi32, #tpu.memory_space<vmem>>) semaphore(%arg16 : memref<!tpu.dma_semaphore, #tpu.memory_space<semaphore_mem>>)
    %multiple_of3A_33 = arith.constant 400 : i32
    %multiple_of3A_34 = tpu.assume_multiple %multiple_of3A_33, 8 : i32
    %dma_start3A_35 = tpu.memref_slice %arg5[%multiple_of3A_34] : memref<25600xi32, #tpu.memory_space<vmem>> -> memref<128xi32, #tpu.memory_space<vmem>>
    %dma_start3A_36 = arith.constant 0 : i32
    %dma_start3A_37 = arith.constant 0 : i32
    %dma_start3A_38 = tpu.memref_slice %arg3[%dma_start3A_36, %dma_start3A_37] : memref<1015808x64xf32, #tpu.memory_space<hbm>> -> memref<1015808x64xf32, #tpu.memory_space<hbm>>
    tpu.enqueue_indirect_dma source(%dma_start3A_38 : memref<1015808x64xf32, #tpu.memory_space<hbm>>) target(%arg8 : memref<128x64xf32, #tpu.memory_space<vmem>>) offsets(%dma_start3A_35 : memref<128xi32, #tpu.memory_space<vmem>>) semaphore(%arg17 : memref<!tpu.dma_semaphore, #tpu.memory_space<semaphore_mem>>)
    %add3A_39 = arith.constant 128 : i32
    %add3A_40 = arith.addi %multiple_of3A_34, %add3A_39 : i32
    %dma_start3A_41 = tpu.memref_slice %arg5[%add3A_40] : memref<25600xi32, #tpu.memory_space<vmem>> -> memref<72xi32, #tpu.memory_space<vmem>>
    %dma_start3A_42 = arith.constant 0 : i32
    %dma_start3A_43 = arith.constant 0 : i32
    %dma_start3A_44 = tpu.memref_slice %arg3[%dma_start3A_42, %dma_start3A_43] : memref<1015808x64xf32, #tpu.memory_space<hbm>> -> memref<1015808x64xf32, #tpu.memory_space<hbm>>
    tpu.enqueue_indirect_dma source(%dma_start3A_44 : memref<1015808x64xf32, #tpu.memory_space<hbm>>) target(%arg12 : memref<72x64xf32, #tpu.memory_space<vmem>>) offsets(%dma_start3A_41 : memref<72xi32, #tpu.memory_space<vmem>>) semaphore(%arg17 : memref<!tpu.dma_semaphore, #tpu.memory_space<semaphore_mem>>)
    %scan3A_45 = arith.constant 0 : i32
    %scan3A_46 = arith.constant 0 : i32
    %scan3A_47 = arith.constant 32 : i32
    %scan3A_48 = arith.addi %scan3A_46, %scan3A_47 : i32
    %scan3A_49 = arith.constant 1 : i32
    %scan3A_50 = scf.for %scan3A_52 = %scan3A_46 to %scan3A_48 step %scan3A_49 iter_args(%scan3A_53 = %scan3A_45) -> (i32)  : i32 {
      %mul3A_54 = arith.constant 4 : i32
      %mul3A_55 = arith.muli %scan3A_52, %mul3A_54 : i32
      %add3A_56 = arith.constant 0 : i32
      %add3A_57 = arith.addi %mul3A_55, %add3A_56 : i32
      %add3A_58 = arith.constant 4 : i32
      %add3A_59 = arith.addi %add3A_57, %add3A_58 : i32
      %sub3A = arith.constant 1 : i32
      %sub3A_60 = arith.subi %add3A_59, %sub3A : i32
      %lt3A = arith.constant 128 : i32
      %lt3A_61 = arith.cmpi slt, %sub3A_60, %lt3A : i32
      %convert_element_type3A = arith.extui %lt3A_61 : i1 to i32
      %cond3A = arith.constant 0 : i32
      %cond3A_62 = arith.cmpi ne, %convert_element_type3A, %cond3A : i32
      scf.if %cond3A_62 {
        %mul3A_270 = arith.constant 200 : i32
        %mul3A_271 = arith.muli %sub3A_60, %mul3A_270 : i32
        %multiple_of3A_272 = tpu.assume_multiple %mul3A_271, 8 : i32
        %dma_start3A_273 = tpu.memref_slice %arg5[%multiple_of3A_272] : memref<25600xi32, #tpu.memory_space<vmem>> -> memref<128xi32, #tpu.memory_space<vmem>>
        %dma_start3A_274 = arith.constant 0 : i32
        %dma_start3A_275 = arith.constant 0 : i32
        %dma_start3A_276 = tpu.memref_slice %arg3[%dma_start3A_274, %dma_start3A_275] : memref<1015808x64xf32, #tpu.memory_space<hbm>> -> memref<1015808x64xf32, #tpu.memory_space<hbm>>
        tpu.enqueue_indirect_dma source(%dma_start3A_276 : memref<1015808x64xf32, #tpu.memory_space<hbm>>) target(%arg9 : memref<128x64xf32, #tpu.memory_space<vmem>>) offsets(%dma_start3A_273 : memref<128xi32, #tpu.memory_space<vmem>>) semaphore(%arg18 : memref<!tpu.dma_semaphore, #tpu.memory_space<semaphore_mem>>)
        %add3A_277 = arith.constant 128 : i32
        %add3A_278 = arith.addi %multiple_of3A_272, %add3A_277 : i32
        %dma_start3A_279 = tpu.memref_slice %arg5[%add3A_278] : memref<25600xi32, #tpu.memory_space<vmem>> -> memref<72xi32, #tpu.memory_space<vmem>>
        %dma_start3A_280 = arith.constant 0 : i32
        %dma_start3A_281 = arith.constant 0 : i32
        %dma_start3A_282 = tpu.memref_slice %arg3[%dma_start3A_280, %dma_start3A_281] : memref<1015808x64xf32, #tpu.memory_space<hbm>> -> memref<1015808x64xf32, #tpu.memory_space<hbm>>
        tpu.enqueue_indirect_dma source(%dma_start3A_282 : memref<1015808x64xf32, #tpu.memory_space<hbm>>) target(%arg13 : memref<72x64xf32, #tpu.memory_space<vmem>>) offsets(%dma_start3A_279 : memref<72xi32, #tpu.memory_space<vmem>>) semaphore(%arg18 : memref<!tpu.dma_semaphore, #tpu.memory_space<semaphore_mem>>)
      } else {
      }
      %dma_wait3A = arith.constant 0 : i32
      %dma_wait3A_63 = tpu.memref_slice %arg5[%dma_wait3A] : memref<25600xi32, #tpu.memory_space<vmem>> -> memref<128xi32, #tpu.memory_space<vmem>>
      %dma_wait3A_64 = arith.constant 0 : i32
      %dma_wait3A_65 = arith.constant 0 : i32
      %dma_wait3A_66 = tpu.memref_slice %arg3[%dma_wait3A_64, %dma_wait3A_65] : memref<1015808x64xf32, #tpu.memory_space<hbm>> -> memref<1015808x64xf32, #tpu.memory_space<hbm>>
      tpu.wait_indirect_dma semaphore(%arg15 : memref<!tpu.dma_semaphore, #tpu.memory_space<semaphore_mem>>) src(%dma_wait3A_66 : memref<1015808x64xf32, #tpu.memory_space<hbm>>) dst(%arg6 : memref<128x64xf32, #tpu.memory_space<vmem>>)
      %dma_wait3A_67 = arith.constant 128 : i32
      %dma_wait3A_68 = tpu.memref_slice %arg5[%dma_wait3A_67] : memref<25600xi32, #tpu.memory_space<vmem>> -> memref<72xi32, #tpu.memory_space<vmem>>
      %dma_wait3A_69 = arith.constant 0 : i32
      %dma_wait3A_70 = arith.constant 0 : i32
      %dma_wait3A_71 = tpu.memref_slice %arg3[%dma_wait3A_69, %dma_wait3A_70] : memref<1015808x64xf32, #tpu.memory_space<hbm>> -> memref<1015808x64xf32, #tpu.memory_space<hbm>>
      tpu.wait_indirect_dma semaphore(%arg15 : memref<!tpu.dma_semaphore, #tpu.memory_space<semaphore_mem>>) src(%dma_wait3A_71 : memref<1015808x64xf32, #tpu.memory_space<hbm>>) dst(%arg10 : memref<72x64xf32, #tpu.memory_space<vmem>>)
      %broadcast_in_dim3A = arith.constant 0.000000e+00 : f32
      %broadcast_in_dim3A_72 = vector.broadcast %broadcast_in_dim3A : f32 to vector<16xf32>
      %scan3A_73 = arith.constant 0 : i32
      %scan3A_74 = arith.constant 128 : i32
      %scan3A_75 = arith.addi %scan3A_73, %scan3A_74 : i32
      %scan3A_76 = arith.constant 1 : i32
      %scan3A_77:4 = scf.for %scan3A_270 = %scan3A_73 to %scan3A_75 step %scan3A_76 iter_args(%scan3A_271 = %broadcast_in_dim3A_72, %scan3A_272 = %broadcast_in_dim3A_72, %scan3A_273 = %broadcast_in_dim3A_72, %scan3A_274 = %broadcast_in_dim3A_72) -> (vector<16xf32>, vector<16xf32>, vector<16xf32>, vector<16xf32>)  : i32 {
        %get3A = arith.index_cast %scan3A_270 : i32 to index
        %get3A_275 = arith.constant 0 : index
        %get3A_276 = tpu.vector_load %arg6[%get3A, %get3A_275] {strides = array<i32>} : memref<128x64xf32, #tpu.memory_space<vmem>>, vector<1x16xf32>,
        %get3A_277 = vector.shape_cast %get3A_276 : vector<1x16xf32> to vector<16xf32>
        %add3A_278 = arith.addf %scan3A_271, %get3A_277 : vector<16xf32>
        %get3A_279 = arith.index_cast %scan3A_270 : i32 to index
        %get3A_280 = arith.constant 16 : index
        %get3A_281 = tpu.vector_load %arg6[%get3A_279, %get3A_280] {strides = array<i32>} : memref<128x64xf32, #tpu.memory_space<vmem>>, vector<1x16xf32>,
        %get3A_282 = vector.shape_cast %get3A_281 : vector<1x16xf32> to vector<16xf32>
        %add3A_283 = arith.addf %scan3A_272, %get3A_282 : vector<16xf32>
        %get3A_284 = arith.index_cast %scan3A_270 : i32 to index
        %get3A_285 = arith.constant 32 : index
        %get3A_286 = tpu.vector_load %arg6[%get3A_284, %get3A_285] {strides = array<i32>} : memref<128x64xf32, #tpu.memory_space<vmem>>, vector<1x16xf32>,
        %get3A_287 = vector.shape_cast %get3A_286 : vector<1x16xf32> to vector<16xf32>
        %add3A_288 = arith.addf %scan3A_273, %get3A_287 : vector<16xf32>
        %get3A_289 = arith.index_cast %scan3A_270 : i32 to index
        %get3A_290 = arith.constant 48 : index
        %get3A_291 = tpu.vector_load %arg6[%get3A_289, %get3A_290] {strides = array<i32>} : memref<128x64xf32, #tpu.memory_space<vmem>>, vector<1x16xf32>,
        %get3A_292 = vector.shape_cast %get3A_291 : vector<1x16xf32> to vector<16xf32>
        %add3A_293 = arith.addf %scan3A_274, %get3A_292 : vector<16xf32>
        scf.yield %add3A_278, %add3A_283, %add3A_288, %add3A_293 : vector<16xf32>, vector<16xf32>, vector<16xf32>, vector<16xf32>
      }
      %scan3A_78 = arith.constant 128 : i32
      %scan3A_79 = arith.constant 0 : i32
      %scan3A_80 = arith.constant 72 : i32
      %scan3A_81 = arith.addi %scan3A_79, %scan3A_80 : i32
      %scan3A_82 = arith.constant 1 : i32
      %scan3A_83:4 = scf.for %scan3A_270 = %scan3A_79 to %scan3A_81 step %scan3A_82 iter_args(%scan3A_271 = %scan3A_77#0, %scan3A_272 = %scan3A_77#1, %scan3A_273 = %scan3A_77#2, %scan3A_274 = %scan3A_77#3) -> (vector<16xf32>, vector<16xf32>, vector<16xf32>, vector<16xf32>)  : i32 {
        %get3A = arith.index_cast %scan3A_270 : i32 to index
        %get3A_275 = arith.constant 0 : index
        %get3A_276 = tpu.vector_load %arg10[%get3A, %get3A_275] {strides = array<i32>} : memref<72x64xf32, #tpu.memory_space<vmem>>, vector<1x16xf32>,
        %get3A_277 = vector.shape_cast %get3A_276 : vector<1x16xf32> to vector<16xf32>
        %add3A_278 = arith.addf %scan3A_271, %get3A_277 : vector<16xf32>
        %get3A_279 = arith.index_cast %scan3A_270 : i32 to index
        %get3A_280 = arith.constant 16 : index
        %get3A_281 = tpu.vector_load %arg10[%get3A_279, %get3A_280] {strides = array<i32>} : memref<72x64xf32, #tpu.memory_space<vmem>>, vector<1x16xf32>,
        %get3A_282 = vector.shape_cast %get3A_281 : vector<1x16xf32> to vector<16xf32>
        %add3A_283 = arith.addf %scan3A_272, %get3A_282 : vector<16xf32>
        %get3A_284 = arith.index_cast %scan3A_270 : i32 to index
        %get3A_285 = arith.constant 32 : index
        %get3A_286 = tpu.vector_load %arg10[%get3A_284, %get3A_285] {strides = array<i32>} : memref<72x64xf32, #tpu.memory_space<vmem>>, vector<1x16xf32>,
        %get3A_287 = vector.shape_cast %get3A_286 : vector<1x16xf32> to vector<16xf32>
        %add3A_288 = arith.addf %scan3A_273, %get3A_287 : vector<16xf32>
        %get3A_289 = arith.index_cast %scan3A_270 : i32 to index
        %get3A_290 = arith.constant 48 : index
        %get3A_291 = tpu.vector_load %arg10[%get3A_289, %get3A_290] {strides = array<i32>} : memref<72x64xf32, #tpu.memory_space<vmem>>, vector<1x16xf32>,
        %get3A_292 = vector.shape_cast %get3A_291 : vector<1x16xf32> to vector<16xf32>
        %add3A_293 = arith.addf %scan3A_274, %get3A_292 : vector<16xf32>
        scf.yield %add3A_278, %add3A_283, %add3A_288, %add3A_293 : vector<16xf32>, vector<16xf32>, vector<16xf32>, vector<16xf32>
      }
      %scan3A_84 = arith.constant 72 : i32
      %swap3A = arith.index_cast %add3A_57 : i32 to index
      %swap3A_85 = arith.constant 0 : index
      %swap3A_86 = tpu.vector_load %arg14[%swap3A, %swap3A_85] {strides = array<i32>} : memref<128x64xf32, #tpu.memory_space<vmem>>, vector<1x16xf32>,
      %swap3A_87 = vector.shape_cast %swap3A_86 : vector<1x16xf32> to vector<16xf32>
      %swap3A_88 = vector.shape_cast %scan3A_83#0 : vector<16xf32> to vector<1x16xf32>
      tpu.vector_store %arg14[%swap3A, %swap3A_85], %swap3A_88 {strides = array<i32>} : memref<128x64xf32, #tpu.memory_space<vmem>>, vector<1x16xf32>,
      %swap3A_89 = arith.index_cast %add3A_57 : i32 to index
      %swap3A_90 = arith.constant 16 : index
      %swap3A_91 = tpu.vector_load %arg14[%swap3A_89, %swap3A_90] {strides = array<i32>} : memref<128x64xf32, #tpu.memory_space<vmem>>, vector<1x16xf32>,
      %swap3A_92 = vector.shape_cast %swap3A_91 : vector<1x16xf32> to vector<16xf32>
      %swap3A_93 = vector.shape_cast %scan3A_83#1 : vector<16xf32> to vector<1x16xf32>
      tpu.vector_store %arg14[%swap3A_89, %swap3A_90], %swap3A_93 {strides = array<i32>} : memref<128x64xf32, #tpu.memory_space<vmem>>, vector<1x16xf32>,
      %swap3A_94 = arith.index_cast %add3A_57 : i32 to index
      %swap3A_95 = arith.constant 32 : index
      %swap3A_96 = tpu.vector_load %arg14[%swap3A_94, %swap3A_95] {strides = array<i32>} : memref<128x64xf32, #tpu.memory_space<vmem>>, vector<1x16xf32>,
      %swap3A_97 = vector.shape_cast %swap3A_96 : vector<1x16xf32> to vector<16xf32>
      %swap3A_98 = vector.shape_cast %scan3A_83#2 : vector<16xf32> to vector<1x16xf32>
      tpu.vector_store %arg14[%swap3A_94, %swap3A_95], %swap3A_98 {strides = array<i32>} : memref<128x64xf32, #tpu.memory_space<vmem>>, vector<1x16xf32>,
      %swap3A_99 = arith.index_cast %add3A_57 : i32 to index
      %swap3A_100 = arith.constant 48 : index
      %swap3A_101 = tpu.vector_load %arg14[%swap3A_99, %swap3A_100] {strides = array<i32>} : memref<128x64xf32, #tpu.memory_space<vmem>>, vector<1x16xf32>,
      %swap3A_102 = vector.shape_cast %swap3A_101 : vector<1x16xf32> to vector<16xf32>
      %swap3A_103 = vector.shape_cast %scan3A_83#3 : vector<16xf32> to vector<1x16xf32>
      tpu.vector_store %arg14[%swap3A_99, %swap3A_100], %swap3A_103 {strides = array<i32>} : memref<128x64xf32, #tpu.memory_space<vmem>>, vector<1x16xf32>,
      %add3A_104 = arith.constant 1 : i32
      %add3A_105 = arith.addi %mul3A_55, %add3A_104 : i32
      %add3A_106 = arith.constant 4 : i32
      %add3A_107 = arith.addi %add3A_105, %add3A_106 : i32
      %sub3A_108 = arith.constant 1 : i32
      %sub3A_109 = arith.subi %add3A_107, %sub3A_108 : i32
      %lt3A_110 = arith.constant 128 : i32
      %lt3A_111 = arith.cmpi slt, %sub3A_109, %lt3A_110 : i32
      %convert_element_type3A_112 = arith.extui %lt3A_111 : i1 to i32
      %cond3A_113 = arith.constant 0 : i32
      %cond3A_114 = arith.cmpi ne, %convert_element_type3A_112, %cond3A_113 : i32
      scf.if %cond3A_114 {
        %mul3A_270 = arith.constant 200 : i32
        %mul3A_271 = arith.muli %sub3A_109, %mul3A_270 : i32
        %multiple_of3A_272 = tpu.assume_multiple %mul3A_271, 8 : i32
        %dma_start3A_273 = tpu.memref_slice %arg5[%multiple_of3A_272] : memref<25600xi32, #tpu.memory_space<vmem>> -> memref<128xi32, #tpu.memory_space<vmem>>
        %dma_start3A_274 = arith.constant 0 : i32
        %dma_start3A_275 = arith.constant 0 : i32
        %dma_start3A_276 = tpu.memref_slice %arg3[%dma_start3A_274, %dma_start3A_275] : memref<1015808x64xf32, #tpu.memory_space<hbm>> -> memref<1015808x64xf32, #tpu.memory_space<hbm>>
        tpu.enqueue_indirect_dma source(%dma_start3A_276 : memref<1015808x64xf32, #tpu.memory_space<hbm>>) target(%arg6 : memref<128x64xf32, #tpu.memory_space<vmem>>) offsets(%dma_start3A_273 : memref<128xi32, #tpu.memory_space<vmem>>) semaphore(%arg15 : memref<!tpu.dma_semaphore, #tpu.memory_space<semaphore_mem>>)
        %add3A_277 = arith.constant 128 : i32
        %add3A_278 = arith.addi %multiple_of3A_272, %add3A_277 : i32
        %dma_start3A_279 = tpu.memref_slice %arg5[%add3A_278] : memref<25600xi32, #tpu.memory_space<vmem>> -> memref<72xi32, #tpu.memory_space<vmem>>
        %dma_start3A_280 = arith.constant 0 : i32
        %dma_start3A_281 = arith.constant 0 : i32
        %dma_start3A_282 = tpu.memref_slice %arg3[%dma_start3A_280, %dma_start3A_281] : memref<1015808x64xf32, #tpu.memory_space<hbm>> -> memref<1015808x64xf32, #tpu.memory_space<hbm>>
        tpu.enqueue_indirect_dma source(%dma_start3A_282 : memref<1015808x64xf32, #tpu.memory_space<hbm>>) target(%arg10 : memref<72x64xf32, #tpu.memory_space<vmem>>) offsets(%dma_start3A_279 : memref<72xi32, #tpu.memory_space<vmem>>) semaphore(%arg15 : memref<!tpu.dma_semaphore, #tpu.memory_space<semaphore_mem>>)
      } else {
      }
      %dma_wait3A_115 = arith.constant 0 : i32
      %dma_wait3A_116 = tpu.memref_slice %arg5[%dma_wait3A_115] : memref<25600xi32, #tpu.memory_space<vmem>> -> memref<128xi32, #tpu.memory_space<vmem>>
      %dma_wait3A_117 = arith.constant 0 : i32
      %dma_wait3A_118 = arith.constant 0 : i32
      %dma_wait3A_119 = tpu.memref_slice %arg3[%dma_wait3A_117, %dma_wait3A_118] : memref<1015808x64xf32, #tpu.memory_space<hbm>> -> memref<1015808x64xf32, #tpu.memory_space<hbm>>
      tpu.wait_indirect_dma semaphore(%arg16 : memref<!tpu.dma_semaphore, #tpu.memory_space<semaphore_mem>>) src(%dma_wait3A_119 : memref<1015808x64xf32, #tpu.memory_space<hbm>>) dst(%arg7 : memref<128x64xf32, #tpu.memory_space<vmem>>)
      %dma_wait3A_120 = arith.constant 128 : i32
      %dma_wait3A_121 = tpu.memref_slice %arg5[%dma_wait3A_120] : memref<25600xi32, #tpu.memory_space<vmem>> -> memref<72xi32, #tpu.memory_space<vmem>>
      %dma_wait3A_122 = arith.constant 0 : i32
      %dma_wait3A_123 = arith.constant 0 : i32
      %dma_wait3A_124 = tpu.memref_slice %arg3[%dma_wait3A_122, %dma_wait3A_123] : memref<1015808x64xf32, #tpu.memory_space<hbm>> -> memref<1015808x64xf32, #tpu.memory_space<hbm>>
      tpu.wait_indirect_dma semaphore(%arg16 : memref<!tpu.dma_semaphore, #tpu.memory_space<semaphore_mem>>) src(%dma_wait3A_124 : memref<1015808x64xf32, #tpu.memory_space<hbm>>) dst(%arg11 : memref<72x64xf32, #tpu.memory_space<vmem>>)
      %broadcast_in_dim3A_125 = arith.constant 0.000000e+00 : f32
      %broadcast_in_dim3A_126 = vector.broadcast %broadcast_in_dim3A_125 : f32 to vector<16xf32>
      %scan3A_127 = arith.constant 0 : i32
      %scan3A_128 = arith.constant 128 : i32
      %scan3A_129 = arith.addi %scan3A_127, %scan3A_128 : i32
      %scan3A_130 = arith.constant 1 : i32
      %scan3A_131:4 = scf.for %scan3A_270 = %scan3A_127 to %scan3A_129 step %scan3A_130 iter_args(%scan3A_271 = %broadcast_in_dim3A_126, %scan3A_272 = %broadcast_in_dim3A_126, %scan3A_273 = %broadcast_in_dim3A_126, %scan3A_274 = %broadcast_in_dim3A_126) -> (vector<16xf32>, vector<16xf32>, vector<16xf32>, vector<16xf32>)  : i32 {
        %get3A = arith.index_cast %scan3A_270 : i32 to index
        %get3A_275 = arith.constant 0 : index
        %get3A_276 = tpu.vector_load %arg7[%get3A, %get3A_275] {strides = array<i32>} : memref<128x64xf32, #tpu.memory_space<vmem>>, vector<1x16xf32>,
        %get3A_277 = vector.shape_cast %get3A_276 : vector<1x16xf32> to vector<16xf32>
        %add3A_278 = arith.addf %scan3A_271, %get3A_277 : vector<16xf32>
        %get3A_279 = arith.index_cast %scan3A_270 : i32 to index
        %get3A_280 = arith.constant 16 : index
        %get3A_281 = tpu.vector_load %arg7[%get3A_279, %get3A_280] {strides = array<i32>} : memref<128x64xf32, #tpu.memory_space<vmem>>, vector<1x16xf32>,
        %get3A_282 = vector.shape_cast %get3A_281 : vector<1x16xf32> to vector<16xf32>
        %add3A_283 = arith.addf %scan3A_272, %get3A_282 : vector<16xf32>
        %get3A_284 = arith.index_cast %scan3A_270 : i32 to index
        %get3A_285 = arith.constant 32 : index
        %get3A_286 = tpu.vector_load %arg7[%get3A_284, %get3A_285] {strides = array<i32>} : memref<128x64xf32, #tpu.memory_space<vmem>>, vector<1x16xf32>,
        %get3A_287 = vector.shape_cast %get3A_286 : vector<1x16xf32> to vector<16xf32>
        %add3A_288 = arith.addf %scan3A_273, %get3A_287 : vector<16xf32>
        %get3A_289 = arith.index_cast %scan3A_270 : i32 to index
        %get3A_290 = arith.constant 48 : index
        %get3A_291 = tpu.vector_load %arg7[%get3A_289, %get3A_290] {strides = array<i32>} : memref<128x64xf32, #tpu.memory_space<vmem>>, vector<1x16xf32>,
        %get3A_292 = vector.shape_cast %get3A_291 : vector<1x16xf32> to vector<16xf32>
        %add3A_293 = arith.addf %scan3A_274, %get3A_292 : vector<16xf32>
        scf.yield %add3A_278, %add3A_283, %add3A_288, %add3A_293 : vector<16xf32>, vector<16xf32>, vector<16xf32>, vector<16xf32>
      }
      %scan3A_132 = arith.constant 128 : i32
      %scan3A_133 = arith.constant 0 : i32
      %scan3A_134 = arith.constant 72 : i32
      %scan3A_135 = arith.addi %scan3A_133, %scan3A_134 : i32
      %scan3A_136 = arith.constant 1 : i32
      %scan3A_137:4 = scf.for %scan3A_270 = %scan3A_133 to %scan3A_135 step %scan3A_136 iter_args(%scan3A_271 = %scan3A_131#0, %scan3A_272 = %scan3A_131#1, %scan3A_273 = %scan3A_131#2, %scan3A_274 = %scan3A_131#3) -> (vector<16xf32>, vector<16xf32>, vector<16xf32>, vector<16xf32>)  : i32 {
        %get3A = arith.index_cast %scan3A_270 : i32 to index
        %get3A_275 = arith.constant 0 : index
        %get3A_276 = tpu.vector_load %arg11[%get3A, %get3A_275] {strides = array<i32>} : memref<72x64xf32, #tpu.memory_space<vmem>>, vector<1x16xf32>,
        %get3A_277 = vector.shape_cast %get3A_276 : vector<1x16xf32> to vector<16xf32>
        %add3A_278 = arith.addf %scan3A_271, %get3A_277 : vector<16xf32>
        %get3A_279 = arith.index_cast %scan3A_270 : i32 to index
        %get3A_280 = arith.constant 16 : index
        %get3A_281 = tpu.vector_load %arg11[%get3A_279, %get3A_280] {strides = array<i32>} : memref<72x64xf32, #tpu.memory_space<vmem>>, vector<1x16xf32>,
        %get3A_282 = vector.shape_cast %get3A_281 : vector<1x16xf32> to vector<16xf32>
        %add3A_283 = arith.addf %scan3A_272, %get3A_282 : vector<16xf32>
        %get3A_284 = arith.index_cast %scan3A_270 : i32 to index
        %get3A_285 = arith.constant 32 : index
        %get3A_286 = tpu.vector_load %arg11[%get3A_284, %get3A_285] {strides = array<i32>} : memref<72x64xf32, #tpu.memory_space<vmem>>, vector<1x16xf32>,
        %get3A_287 = vector.shape_cast %get3A_286 : vector<1x16xf32> to vector<16xf32>
        %add3A_288 = arith.addf %scan3A_273, %get3A_287 : vector<16xf32>
        %get3A_289 = arith.index_cast %scan3A_270 : i32 to index
        %get3A_290 = arith.constant 48 : index
        %get3A_291 = tpu.vector_load %arg11[%get3A_289, %get3A_290] {strides = array<i32>} : memref<72x64xf32, #tpu.memory_space<vmem>>, vector<1x16xf32>,
        %get3A_292 = vector.shape_cast %get3A_291 : vector<1x16xf32> to vector<16xf32>
        %add3A_293 = arith.addf %scan3A_274, %get3A_292 : vector<16xf32>
        scf.yield %add3A_278, %add3A_283, %add3A_288, %add3A_293 : vector<16xf32>, vector<16xf32>, vector<16xf32>, vector<16xf32>
      }
      %scan3A_138 = arith.constant 72 : i32
      %swap3A_139 = arith.index_cast %add3A_105 : i32 to index
      %swap3A_140 = arith.constant 0 : index
      %swap3A_141 = tpu.vector_load %arg14[%swap3A_139, %swap3A_140] {strides = array<i32>} : memref<128x64xf32, #tpu.memory_space<vmem>>, vector<1x16xf32>,
      %swap3A_142 = vector.shape_cast %swap3A_141 : vector<1x16xf32> to vector<16xf32>
      %swap3A_143 = vector.shape_cast %scan3A_137#0 : vector<16xf32> to vector<1x16xf32>
      tpu.vector_store %arg14[%swap3A_139, %swap3A_140], %swap3A_143 {strides = array<i32>} : memref<128x64xf32, #tpu.memory_space<vmem>>, vector<1x16xf32>,
      %swap3A_144 = arith.index_cast %add3A_105 : i32 to index
      %swap3A_145 = arith.constant 16 : index
      %swap3A_146 = tpu.vector_load %arg14[%swap3A_144, %swap3A_145] {strides = array<i32>} : memref<128x64xf32, #tpu.memory_space<vmem>>, vector<1x16xf32>,
      %swap3A_147 = vector.shape_cast %swap3A_146 : vector<1x16xf32> to vector<16xf32>
      %swap3A_148 = vector.shape_cast %scan3A_137#1 : vector<16xf32> to vector<1x16xf32>
      tpu.vector_store %arg14[%swap3A_144, %swap3A_145], %swap3A_148 {strides = array<i32>} : memref<128x64xf32, #tpu.memory_space<vmem>>, vector<1x16xf32>,
      %swap3A_149 = arith.index_cast %add3A_105 : i32 to index
      %swap3A_150 = arith.constant 32 : index
      %swap3A_151 = tpu.vector_load %arg14[%swap3A_149, %swap3A_150] {strides = array<i32>} : memref<128x64xf32, #tpu.memory_space<vmem>>, vector<1x16xf32>,
      %swap3A_152 = vector.shape_cast %swap3A_151 : vector<1x16xf32> to vector<16xf32>
      %swap3A_153 = vector.shape_cast %scan3A_137#2 : vector<16xf32> to vector<1x16xf32>
      tpu.vector_store %arg14[%swap3A_149, %swap3A_150], %swap3A_153 {strides = array<i32>} : memref<128x64xf32, #tpu.memory_space<vmem>>, vector<1x16xf32>,
      %swap3A_154 = arith.index_cast %add3A_105 : i32 to index
      %swap3A_155 = arith.constant 48 : index
      %swap3A_156 = tpu.vector_load %arg14[%swap3A_154, %swap3A_155] {strides = array<i32>} : memref<128x64xf32, #tpu.memory_space<vmem>>, vector<1x16xf32>,
      %swap3A_157 = vector.shape_cast %swap3A_156 : vector<1x16xf32> to vector<16xf32>
      %swap3A_158 = vector.shape_cast %scan3A_137#3 : vector<16xf32> to vector<1x16xf32>
      tpu.vector_store %arg14[%swap3A_154, %swap3A_155], %swap3A_158 {strides = array<i32>} : memref<128x64xf32, #tpu.memory_space<vmem>>, vector<1x16xf32>,
      %add3A_159 = arith.constant 2 : i32
      %add3A_160 = arith.addi %mul3A_55, %add3A_159 : i32
      %add3A_161 = arith.constant 4 : i32
      %add3A_162 = arith.addi %add3A_160, %add3A_161 : i32
      %sub3A_163 = arith.constant 1 : i32
      %sub3A_164 = arith.subi %add3A_162, %sub3A_163 : i32
      %lt3A_165 = arith.constant 128 : i32
      %lt3A_166 = arith.cmpi slt, %sub3A_164, %lt3A_165 : i32
      %convert_element_type3A_167 = arith.extui %lt3A_166 : i1 to i32
      %cond3A_168 = arith.constant 0 : i32
      %cond3A_169 = arith.cmpi ne, %convert_element_type3A_167, %cond3A_168 : i32
      scf.if %cond3A_169 {
        %mul3A_270 = arith.constant 200 : i32
        %mul3A_271 = arith.muli %sub3A_164, %mul3A_270 : i32
        %multiple_of3A_272 = tpu.assume_multiple %mul3A_271, 8 : i32
        %dma_start3A_273 = tpu.memref_slice %arg5[%multiple_of3A_272] : memref<25600xi32, #tpu.memory_space<vmem>> -> memref<128xi32, #tpu.memory_space<vmem>>
        %dma_start3A_274 = arith.constant 0 : i32
        %dma_start3A_275 = arith.constant 0 : i32
        %dma_start3A_276 = tpu.memref_slice %arg3[%dma_start3A_274, %dma_start3A_275] : memref<1015808x64xf32, #tpu.memory_space<hbm>> -> memref<1015808x64xf32, #tpu.memory_space<hbm>>
        tpu.enqueue_indirect_dma source(%dma_start3A_276 : memref<1015808x64xf32, #tpu.memory_space<hbm>>) target(%arg7 : memref<128x64xf32, #tpu.memory_space<vmem>>) offsets(%dma_start3A_273 : memref<128xi32, #tpu.memory_space<vmem>>) semaphore(%arg16 : memref<!tpu.dma_semaphore, #tpu.memory_space<semaphore_mem>>)
        %add3A_277 = arith.constant 128 : i32
        %add3A_278 = arith.addi %multiple_of3A_272, %add3A_277 : i32
        %dma_start3A_279 = tpu.memref_slice %arg5[%add3A_278] : memref<25600xi32, #tpu.memory_space<vmem>> -> memref<72xi32, #tpu.memory_space<vmem>>
        %dma_start3A_280 = arith.constant 0 : i32
        %dma_start3A_281 = arith.constant 0 : i32
        %dma_start3A_282 = tpu.memref_slice %arg3[%dma_start3A_280, %dma_start3A_281] : memref<1015808x64xf32, #tpu.memory_space<hbm>> -> memref<1015808x64xf32, #tpu.memory_space<hbm>>
        tpu.enqueue_indirect_dma source(%dma_start3A_282 : memref<1015808x64xf32, #tpu.memory_space<hbm>>) target(%arg11 : memref<72x64xf32, #tpu.memory_space<vmem>>) offsets(%dma_start3A_279 : memref<72xi32, #tpu.memory_space<vmem>>) semaphore(%arg16 : memref<!tpu.dma_semaphore, #tpu.memory_space<semaphore_mem>>)
      } else {
      }
      %dma_wait3A_170 = arith.constant 0 : i32
      %dma_wait3A_171 = tpu.memref_slice %arg5[%dma_wait3A_170] : memref<25600xi32, #tpu.memory_space<vmem>> -> memref<128xi32, #tpu.memory_space<vmem>>
      %dma_wait3A_172 = arith.constant 0 : i32
      %dma_wait3A_173 = arith.constant 0 : i32
      %dma_wait3A_174 = tpu.memref_slice %arg3[%dma_wait3A_172, %dma_wait3A_173] : memref<1015808x64xf32, #tpu.memory_space<hbm>> -> memref<1015808x64xf32, #tpu.memory_space<hbm>>
      tpu.wait_indirect_dma semaphore(%arg17 : memref<!tpu.dma_semaphore, #tpu.memory_space<semaphore_mem>>) src(%dma_wait3A_174 : memref<1015808x64xf32, #tpu.memory_space<hbm>>) dst(%arg8 : memref<128x64xf32, #tpu.memory_space<vmem>>)
      %dma_wait3A_175 = arith.constant 128 : i32
      %dma_wait3A_176 = tpu.memref_slice %arg5[%dma_wait3A_175] : memref<25600xi32, #tpu.memory_space<vmem>> -> memref<72xi32, #tpu.memory_space<vmem>>
      %dma_wait3A_177 = arith.constant 0 : i32
      %dma_wait3A_178 = arith.constant 0 : i32
      %dma_wait3A_179 = tpu.memref_slice %arg3[%dma_wait3A_177, %dma_wait3A_178] : memref<1015808x64xf32, #tpu.memory_space<hbm>> -> memref<1015808x64xf32, #tpu.memory_space<hbm>>
      tpu.wait_indirect_dma semaphore(%arg17 : memref<!tpu.dma_semaphore, #tpu.memory_space<semaphore_mem>>) src(%dma_wait3A_179 : memref<1015808x64xf32, #tpu.memory_space<hbm>>) dst(%arg12 : memref<72x64xf32, #tpu.memory_space<vmem>>)
      %broadcast_in_dim3A_180 = arith.constant 0.000000e+00 : f32
      %broadcast_in_dim3A_181 = vector.broadcast %broadcast_in_dim3A_180 : f32 to vector<16xf32>
      %scan3A_182 = arith.constant 0 : i32
      %scan3A_183 = arith.constant 128 : i32
      %scan3A_184 = arith.addi %scan3A_182, %scan3A_183 : i32
      %scan3A_185 = arith.constant 1 : i32
      %scan3A_186:4 = scf.for %scan3A_270 = %scan3A_182 to %scan3A_184 step %scan3A_185 iter_args(%scan3A_271 = %broadcast_in_dim3A_181, %scan3A_272 = %broadcast_in_dim3A_181, %scan3A_273 = %broadcast_in_dim3A_181, %scan3A_274 = %broadcast_in_dim3A_181) -> (vector<16xf32>, vector<16xf32>, vector<16xf32>, vector<16xf32>)  : i32 {
        %get3A = arith.index_cast %scan3A_270 : i32 to index
        %get3A_275 = arith.constant 0 : index
        %get3A_276 = tpu.vector_load %arg8[%get3A, %get3A_275] {strides = array<i32>} : memref<128x64xf32, #tpu.memory_space<vmem>>, vector<1x16xf32>,
        %get3A_277 = vector.shape_cast %get3A_276 : vector<1x16xf32> to vector<16xf32>
        %add3A_278 = arith.addf %scan3A_271, %get3A_277 : vector<16xf32>
        %get3A_279 = arith.index_cast %scan3A_270 : i32 to index
        %get3A_280 = arith.constant 16 : index
        %get3A_281 = tpu.vector_load %arg8[%get3A_279, %get3A_280] {strides = array<i32>} : memref<128x64xf32, #tpu.memory_space<vmem>>, vector<1x16xf32>,
        %get3A_282 = vector.shape_cast %get3A_281 : vector<1x16xf32> to vector<16xf32>
        %add3A_283 = arith.addf %scan3A_272, %get3A_282 : vector<16xf32>
        %get3A_284 = arith.index_cast %scan3A_270 : i32 to index
        %get3A_285 = arith.constant 32 : index
        %get3A_286 = tpu.vector_load %arg8[%get3A_284, %get3A_285] {strides = array<i32>} : memref<128x64xf32, #tpu.memory_space<vmem>>, vector<1x16xf32>,
        %get3A_287 = vector.shape_cast %get3A_286 : vector<1x16xf32> to vector<16xf32>
        %add3A_288 = arith.addf %scan3A_273, %get3A_287 : vector<16xf32>
        %get3A_289 = arith.index_cast %scan3A_270 : i32 to index
        %get3A_290 = arith.constant 48 : index
        %get3A_291 = tpu.vector_load %arg8[%get3A_289, %get3A_290] {strides = array<i32>} : memref<128x64xf32, #tpu.memory_space<vmem>>, vector<1x16xf32>,
        %get3A_292 = vector.shape_cast %get3A_291 : vector<1x16xf32> to vector<16xf32>
        %add3A_293 = arith.addf %scan3A_274, %get3A_292 : vector<16xf32>
        scf.yield %add3A_278, %add3A_283, %add3A_288, %add3A_293 : vector<16xf32>, vector<16xf32>, vector<16xf32>, vector<16xf32>
      }
      %scan3A_187 = arith.constant 128 : i32
      %scan3A_188 = arith.constant 0 : i32
      %scan3A_189 = arith.constant 72 : i32
      %scan3A_190 = arith.addi %scan3A_188, %scan3A_189 : i32
      %scan3A_191 = arith.constant 1 : i32
      %scan3A_192:4 = scf.for %scan3A_270 = %scan3A_188 to %scan3A_190 step %scan3A_191 iter_args(%scan3A_271 = %scan3A_186#0, %scan3A_272 = %scan3A_186#1, %scan3A_273 = %scan3A_186#2, %scan3A_274 = %scan3A_186#3) -> (vector<16xf32>, vector<16xf32>, vector<16xf32>, vector<16xf32>)  : i32 {
        %get3A = arith.index_cast %scan3A_270 : i32 to index
        %get3A_275 = arith.constant 0 : index
        %get3A_276 = tpu.vector_load %arg12[%get3A, %get3A_275] {strides = array<i32>} : memref<72x64xf32, #tpu.memory_space<vmem>>, vector<1x16xf32>,
        %get3A_277 = vector.shape_cast %get3A_276 : vector<1x16xf32> to vector<16xf32>
        %add3A_278 = arith.addf %scan3A_271, %get3A_277 : vector<16xf32>
        %get3A_279 = arith.index_cast %scan3A_270 : i32 to index
        %get3A_280 = arith.constant 16 : index
        %get3A_281 = tpu.vector_load %arg12[%get3A_279, %get3A_280] {strides = array<i32>} : memref<72x64xf32, #tpu.memory_space<vmem>>, vector<1x16xf32>,
        %get3A_282 = vector.shape_cast %get3A_281 : vector<1x16xf32> to vector<16xf32>
        %add3A_283 = arith.addf %scan3A_272, %get3A_282 : vector<16xf32>
        %get3A_284 = arith.index_cast %scan3A_270 : i32 to index
        %get3A_285 = arith.constant 32 : index
        %get3A_286 = tpu.vector_load %arg12[%get3A_284, %get3A_285] {strides = array<i32>} : memref<72x64xf32, #tpu.memory_space<vmem>>, vector<1x16xf32>,
        %get3A_287 = vector.shape_cast %get3A_286 : vector<1x16xf32> to vector<16xf32>
        %add3A_288 = arith.addf %scan3A_273, %get3A_287 : vector<16xf32>
        %get3A_289 = arith.index_cast %scan3A_270 : i32 to index
        %get3A_290 = arith.constant 48 : index
        %get3A_291 = tpu.vector_load %arg12[%get3A_289, %get3A_290] {strides = array<i32>} : memref<72x64xf32, #tpu.memory_space<vmem>>, vector<1x16xf32>,
        %get3A_292 = vector.shape_cast %get3A_291 : vector<1x16xf32> to vector<16xf32>
        %add3A_293 = arith.addf %scan3A_274, %get3A_292 : vector<16xf32>
        scf.yield %add3A_278, %add3A_283, %add3A_288, %add3A_293 : vector<16xf32>, vector<16xf32>, vector<16xf32>, vector<16xf32>
      }
      %scan3A_193 = arith.constant 72 : i32
      %swap3A_194 = arith.index_cast %add3A_160 : i32 to index
      %swap3A_195 = arith.constant 0 : index
      %swap3A_196 = tpu.vector_load %arg14[%swap3A_194, %swap3A_195] {strides = array<i32>} : memref<128x64xf32, #tpu.memory_space<vmem>>, vector<1x16xf32>,
      %swap3A_197 = vector.shape_cast %swap3A_196 : vector<1x16xf32> to vector<16xf32>
      %swap3A_198 = vector.shape_cast %scan3A_192#0 : vector<16xf32> to vector<1x16xf32>
      tpu.vector_store %arg14[%swap3A_194, %swap3A_195], %swap3A_198 {strides = array<i32>} : memref<128x64xf32, #tpu.memory_space<vmem>>, vector<1x16xf32>,
      %swap3A_199 = arith.index_cast %add3A_160 : i32 to index
      %swap3A_200 = arith.constant 16 : index
      %swap3A_201 = tpu.vector_load %arg14[%swap3A_199, %swap3A_200] {strides = array<i32>} : memref<128x64xf32, #tpu.memory_space<vmem>>, vector<1x16xf32>,
      %swap3A_202 = vector.shape_cast %swap3A_201 : vector<1x16xf32> to vector<16xf32>
      %swap3A_203 = vector.shape_cast %scan3A_192#1 : vector<16xf32> to vector<1x16xf32>
      tpu.vector_store %arg14[%swap3A_199, %swap3A_200], %swap3A_203 {strides = array<i32>} : memref<128x64xf32, #tpu.memory_space<vmem>>, vector<1x16xf32>,
      %swap3A_204 = arith.index_cast %add3A_160 : i32 to index
      %swap3A_205 = arith.constant 32 : index
      %swap3A_206 = tpu.vector_load %arg14[%swap3A_204, %swap3A_205] {strides = array<i32>} : memref<128x64xf32, #tpu.memory_space<vmem>>, vector<1x16xf32>,
      %swap3A_207 = vector.shape_cast %swap3A_206 : vector<1x16xf32> to vector<16xf32>
      %swap3A_208 = vector.shape_cast %scan3A_192#2 : vector<16xf32> to vector<1x16xf32>
      tpu.vector_store %arg14[%swap3A_204, %swap3A_205], %swap3A_208 {strides = array<i32>} : memref<128x64xf32, #tpu.memory_space<vmem>>, vector<1x16xf32>,
      %swap3A_209 = arith.index_cast %add3A_160 : i32 to index
      %swap3A_210 = arith.constant 48 : index
      %swap3A_211 = tpu.vector_load %arg14[%swap3A_209, %swap3A_210] {strides = array<i32>} : memref<128x64xf32, #tpu.memory_space<vmem>>, vector<1x16xf32>,
      %swap3A_212 = vector.shape_cast %swap3A_211 : vector<1x16xf32> to vector<16xf32>
      %swap3A_213 = vector.shape_cast %scan3A_192#3 : vector<16xf32> to vector<1x16xf32>
      tpu.vector_store %arg14[%swap3A_209, %swap3A_210], %swap3A_213 {strides = array<i32>} : memref<128x64xf32, #tpu.memory_space<vmem>>, vector<1x16xf32>,
      %add3A_214 = arith.constant 3 : i32
      %add3A_215 = arith.addi %mul3A_55, %add3A_214 : i32
      %add3A_216 = arith.constant 4 : i32
      %add3A_217 = arith.addi %add3A_215, %add3A_216 : i32
      %sub3A_218 = arith.constant 1 : i32
      %sub3A_219 = arith.subi %add3A_217, %sub3A_218 : i32
      %lt3A_220 = arith.constant 128 : i32
      %lt3A_221 = arith.cmpi slt, %sub3A_219, %lt3A_220 : i32
      %convert_element_type3A_222 = arith.extui %lt3A_221 : i1 to i32
      %cond3A_223 = arith.constant 0 : i32
      %cond3A_224 = arith.cmpi ne, %convert_element_type3A_222, %cond3A_223 : i32
      scf.if %cond3A_224 {
        %mul3A_270 = arith.constant 200 : i32
        %mul3A_271 = arith.muli %sub3A_219, %mul3A_270 : i32
        %multiple_of3A_272 = tpu.assume_multiple %mul3A_271, 8 : i32
        %dma_start3A_273 = tpu.memref_slice %arg5[%multiple_of3A_272] : memref<25600xi32, #tpu.memory_space<vmem>> -> memref<128xi32, #tpu.memory_space<vmem>>
        %dma_start3A_274 = arith.constant 0 : i32
        %dma_start3A_275 = arith.constant 0 : i32
        %dma_start3A_276 = tpu.memref_slice %arg3[%dma_start3A_274, %dma_start3A_275] : memref<1015808x64xf32, #tpu.memory_space<hbm>> -> memref<1015808x64xf32, #tpu.memory_space<hbm>>
        tpu.enqueue_indirect_dma source(%dma_start3A_276 : memref<1015808x64xf32, #tpu.memory_space<hbm>>) target(%arg8 : memref<128x64xf32, #tpu.memory_space<vmem>>) offsets(%dma_start3A_273 : memref<128xi32, #tpu.memory_space<vmem>>) semaphore(%arg17 : memref<!tpu.dma_semaphore, #tpu.memory_space<semaphore_mem>>)
        %add3A_277 = arith.constant 128 : i32
        %add3A_278 = arith.addi %multiple_of3A_272, %add3A_277 : i32
        %dma_start3A_279 = tpu.memref_slice %arg5[%add3A_278] : memref<25600xi32, #tpu.memory_space<vmem>> -> memref<72xi32, #tpu.memory_space<vmem>>
        %dma_start3A_280 = arith.constant 0 : i32
        %dma_start3A_281 = arith.constant 0 : i32
        %dma_start3A_282 = tpu.memref_slice %arg3[%dma_start3A_280, %dma_start3A_281] : memref<1015808x64xf32, #tpu.memory_space<hbm>> -> memref<1015808x64xf32, #tpu.memory_space<hbm>>
        tpu.enqueue_indirect_dma source(%dma_start3A_282 : memref<1015808x64xf32, #tpu.memory_space<hbm>>) target(%arg12 : memref<72x64xf32, #tpu.memory_space<vmem>>) offsets(%dma_start3A_279 : memref<72xi32, #tpu.memory_space<vmem>>) semaphore(%arg17 : memref<!tpu.dma_semaphore, #tpu.memory_space<semaphore_mem>>)
      } else {
      }
      %dma_wait3A_225 = arith.constant 0 : i32
      %dma_wait3A_226 = tpu.memref_slice %arg5[%dma_wait3A_225] : memref<25600xi32, #tpu.memory_space<vmem>> -> memref<128xi32, #tpu.memory_space<vmem>>
      %dma_wait3A_227 = arith.constant 0 : i32
      %dma_wait3A_228 = arith.constant 0 : i32
      %dma_wait3A_229 = tpu.memref_slice %arg3[%dma_wait3A_227, %dma_wait3A_228] : memref<1015808x64xf32, #tpu.memory_space<hbm>> -> memref<1015808x64xf32, #tpu.memory_space<hbm>>
      tpu.wait_indirect_dma semaphore(%arg18 : memref<!tpu.dma_semaphore, #tpu.memory_space<semaphore_mem>>) src(%dma_wait3A_229 : memref<1015808x64xf32, #tpu.memory_space<hbm>>) dst(%arg9 : memref<128x64xf32, #tpu.memory_space<vmem>>)
      %dma_wait3A_230 = arith.constant 128 : i32
      %dma_wait3A_231 = tpu.memref_slice %arg5[%dma_wait3A_230] : memref<25600xi32, #tpu.memory_space<vmem>> -> memref<72xi32, #tpu.memory_space<vmem>>
      %dma_wait3A_232 = arith.constant 0 : i32
      %dma_wait3A_233 = arith.constant 0 : i32
      %dma_wait3A_234 = tpu.memref_slice %arg3[%dma_wait3A_232, %dma_wait3A_233] : memref<1015808x64xf32, #tpu.memory_space<hbm>> -> memref<1015808x64xf32, #tpu.memory_space<hbm>>
      tpu.wait_indirect_dma semaphore(%arg18 : memref<!tpu.dma_semaphore, #tpu.memory_space<semaphore_mem>>) src(%dma_wait3A_234 : memref<1015808x64xf32, #tpu.memory_space<hbm>>) dst(%arg13 : memref<72x64xf32, #tpu.memory_space<vmem>>)
      %broadcast_in_dim3A_235 = arith.constant 0.000000e+00 : f32
      %broadcast_in_dim3A_236 = vector.broadcast %broadcast_in_dim3A_235 : f32 to vector<16xf32>
      %scan3A_237 = arith.constant 0 : i32
      %scan3A_238 = arith.constant 128 : i32
      %scan3A_239 = arith.addi %scan3A_237, %scan3A_238 : i32
      %scan3A_240 = arith.constant 1 : i32
      %scan3A_241:4 = scf.for %scan3A_270 = %scan3A_237 to %scan3A_239 step %scan3A_240 iter_args(%scan3A_271 = %broadcast_in_dim3A_236, %scan3A_272 = %broadcast_in_dim3A_236, %scan3A_273 = %broadcast_in_dim3A_236, %scan3A_274 = %broadcast_in_dim3A_236) -> (vector<16xf32>, vector<16xf32>, vector<16xf32>, vector<16xf32>)  : i32 {
        %get3A = arith.index_cast %scan3A_270 : i32 to index
        %get3A_275 = arith.constant 0 : index
        %get3A_276 = tpu.vector_load %arg9[%get3A, %get3A_275] {strides = array<i32>} : memref<128x64xf32, #tpu.memory_space<vmem>>, vector<1x16xf32>,
        %get3A_277 = vector.shape_cast %get3A_276 : vector<1x16xf32> to vector<16xf32>
        %add3A_278 = arith.addf %scan3A_271, %get3A_277 : vector<16xf32>
        %get3A_279 = arith.index_cast %scan3A_270 : i32 to index
        %get3A_280 = arith.constant 16 : index
        %get3A_281 = tpu.vector_load %arg9[%get3A_279, %get3A_280] {strides = array<i32>} : memref<128x64xf32, #tpu.memory_space<vmem>>, vector<1x16xf32>,
        %get3A_282 = vector.shape_cast %get3A_281 : vector<1x16xf32> to vector<16xf32>
        %add3A_283 = arith.addf %scan3A_272, %get3A_282 : vector<16xf32>
        %get3A_284 = arith.index_cast %scan3A_270 : i32 to index
        %get3A_285 = arith.constant 32 : index
        %get3A_286 = tpu.vector_load %arg9[%get3A_284, %get3A_285] {strides = array<i32>} : memref<128x64xf32, #tpu.memory_space<vmem>>, vector<1x16xf32>,
        %get3A_287 = vector.shape_cast %get3A_286 : vector<1x16xf32> to vector<16xf32>
        %add3A_288 = arith.addf %scan3A_273, %get3A_287 : vector<16xf32>
        %get3A_289 = arith.index_cast %scan3A_270 : i32 to index
        %get3A_290 = arith.constant 48 : index
        %get3A_291 = tpu.vector_load %arg9[%get3A_289, %get3A_290] {strides = array<i32>} : memref<128x64xf32, #tpu.memory_space<vmem>>, vector<1x16xf32>,
        %get3A_292 = vector.shape_cast %get3A_291 : vector<1x16xf32> to vector<16xf32>
        %add3A_293 = arith.addf %scan3A_274, %get3A_292 : vector<16xf32>
        scf.yield %add3A_278, %add3A_283, %add3A_288, %add3A_293 : vector<16xf32>, vector<16xf32>, vector<16xf32>, vector<16xf32>
      }
      %scan3A_242 = arith.constant 128 : i32
      %scan3A_243 = arith.constant 0 : i32
      %scan3A_244 = arith.constant 72 : i32
      %scan3A_245 = arith.addi %scan3A_243, %scan3A_244 : i32
      %scan3A_246 = arith.constant 1 : i32
      %scan3A_247:4 = scf.for %scan3A_270 = %scan3A_243 to %scan3A_245 step %scan3A_246 iter_args(%scan3A_271 = %scan3A_241#0, %scan3A_272 = %scan3A_241#1, %scan3A_273 = %scan3A_241#2, %scan3A_274 = %scan3A_241#3) -> (vector<16xf32>, vector<16xf32>, vector<16xf32>, vector<16xf32>)  : i32 {
        %get3A = arith.index_cast %scan3A_270 : i32 to index
        %get3A_275 = arith.constant 0 : index
        %get3A_276 = tpu.vector_load %arg13[%get3A, %get3A_275] {strides = array<i32>} : memref<72x64xf32, #tpu.memory_space<vmem>>, vector<1x16xf32>,
        %get3A_277 = vector.shape_cast %get3A_276 : vector<1x16xf32> to vector<16xf32>
        %add3A_278 = arith.addf %scan3A_271, %get3A_277 : vector<16xf32>
        %get3A_279 = arith.index_cast %scan3A_270 : i32 to index
        %get3A_280 = arith.constant 16 : index
        %get3A_281 = tpu.vector_load %arg13[%get3A_279, %get3A_280] {strides = array<i32>} : memref<72x64xf32, #tpu.memory_space<vmem>>, vector<1x16xf32>,
        %get3A_282 = vector.shape_cast %get3A_281 : vector<1x16xf32> to vector<16xf32>
        %add3A_283 = arith.addf %scan3A_272, %get3A_282 : vector<16xf32>
        %get3A_284 = arith.index_cast %scan3A_270 : i32 to index
        %get3A_285 = arith.constant 32 : index
        %get3A_286 = tpu.vector_load %arg13[%get3A_284, %get3A_285] {strides = array<i32>} : memref<72x64xf32, #tpu.memory_space<vmem>>, vector<1x16xf32>,
        %get3A_287 = vector.shape_cast %get3A_286 : vector<1x16xf32> to vector<16xf32>
        %add3A_288 = arith.addf %scan3A_273, %get3A_287 : vector<16xf32>
        %get3A_289 = arith.index_cast %scan3A_270 : i32 to index
        %get3A_290 = arith.constant 48 : index
        %get3A_291 = tpu.vector_load %arg13[%get3A_289, %get3A_290] {strides = array<i32>} : memref<72x64xf32, #tpu.memory_space<vmem>>, vector<1x16xf32>,
        %get3A_292 = vector.shape_cast %get3A_291 : vector<1x16xf32> to vector<16xf32>
        %add3A_293 = arith.addf %scan3A_274, %get3A_292 : vector<16xf32>
        scf.yield %add3A_278, %add3A_283, %add3A_288, %add3A_293 : vector<16xf32>, vector<16xf32>, vector<16xf32>, vector<16xf32>
      }
      %scan3A_248 = arith.constant 72 : i32
      %swap3A_249 = arith.index_cast %add3A_215 : i32 to index
      %swap3A_250 = arith.constant 0 : index
      %swap3A_251 = tpu.vector_load %arg14[%swap3A_249, %swap3A_250] {strides = array<i32>} : memref<128x64xf32, #tpu.memory_space<vmem>>, vector<1x16xf32>,
      %swap3A_252 = vector.shape_cast %swap3A_251 : vector<1x16xf32> to vector<16xf32>
      %swap3A_253 = vector.shape_cast %scan3A_247#0 : vector<16xf32> to vector<1x16xf32>
      tpu.vector_store %arg14[%swap3A_249, %swap3A_250], %swap3A_253 {strides = array<i32>} : memref<128x64xf32, #tpu.memory_space<vmem>>, vector<1x16xf32>,
      %swap3A_254 = arith.index_cast %add3A_215 : i32 to index
      %swap3A_255 = arith.constant 16 : index
      %swap3A_256 = tpu.vector_load %arg14[%swap3A_254, %swap3A_255] {strides = array<i32>} : memref<128x64xf32, #tpu.memory_space<vmem>>, vector<1x16xf32>,
      %swap3A_257 = vector.shape_cast %swap3A_256 : vector<1x16xf32> to vector<16xf32>
      %swap3A_258 = vector.shape_cast %scan3A_247#1 : vector<16xf32> to vector<1x16xf32>
      tpu.vector_store %arg14[%swap3A_254, %swap3A_255], %swap3A_258 {strides = array<i32>} : memref<128x64xf32, #tpu.memory_space<vmem>>, vector<1x16xf32>,
      %swap3A_259 = arith.index_cast %add3A_215 : i32 to index
      %swap3A_260 = arith.constant 32 : index
      %swap3A_261 = tpu.vector_load %arg14[%swap3A_259, %swap3A_260] {strides = array<i32>} : memref<128x64xf32, #tpu.memory_space<vmem>>, vector<1x16xf32>,
      %swap3A_262 = vector.shape_cast %swap3A_261 : vector<1x16xf32> to vector<16xf32>
      %swap3A_263 = vector.shape_cast %scan3A_247#2 : vector<16xf32> to vector<1x16xf32>
      tpu.vector_store %arg14[%swap3A_259, %swap3A_260], %swap3A_263 {strides = array<i32>} : memref<128x64xf32, #tpu.memory_space<vmem>>, vector<1x16xf32>,
      %swap3A_264 = arith.index_cast %add3A_215 : i32 to index
      %swap3A_265 = arith.constant 48 : index
      %swap3A_266 = tpu.vector_load %arg14[%swap3A_264, %swap3A_265] {strides = array<i32>} : memref<128x64xf32, #tpu.memory_space<vmem>>, vector<1x16xf32>,
      %swap3A_267 = vector.shape_cast %swap3A_266 : vector<1x16xf32> to vector<16xf32>
      %swap3A_268 = vector.shape_cast %scan3A_247#3 : vector<16xf32> to vector<1x16xf32>
      tpu.vector_store %arg14[%swap3A_264, %swap3A_265], %swap3A_268 {strides = array<i32>} : memref<128x64xf32, #tpu.memory_space<vmem>>, vector<1x16xf32>,
      %scan3A_269 = arith.constant 0 : i32
      scf.yield %scan3A_269 : i32
    }
    %scan3A_51 = arith.constant 32 : i32
    "tpu.region"() ({
      %run_scoped3A = tpu.sem_alloc : memref<!tpu.dma_semaphore, #tpu.memory_space<semaphore_mem>>
      %dma_start3A_52 = arith.constant 0 : i32
      %dma_start3A_53 = tpu.memref_slice %arg4[%mul3A_2, %dma_start3A_52] : memref<4096x64xf32, #tpu.memory_space<hbm>> -> memref<128x64xf32, #tpu.memory_space<hbm>>
      %dma_start3A_54 = arith.constant 0 : i32
      %dma_start3A_55 = tpu.memref_slice %arg4[%mul3A_2, %dma_start3A_54] : memref<4096x64xf32, #tpu.memory_space<hbm>> -> memref<128x64xf32, #tpu.memory_space<hbm>>
      tpu.enqueue_dma source(%arg14 : memref<128x64xf32, #tpu.memory_space<vmem>>) target(%dma_start3A_55 : memref<128x64xf32, #tpu.memory_space<hbm>>) target_semaphore(%run_scoped3A : memref<!tpu.dma_semaphore, #tpu.memory_space<semaphore_mem>>)
      %dma_wait3A = arith.constant 0 : i32
      %dma_wait3A_56 = tpu.memref_slice %arg4[%mul3A_2, %dma_wait3A] : memref<4096x64xf32, #tpu.memory_space<hbm>> -> memref<128x64xf32, #tpu.memory_space<hbm>>
      %dma_wait3A_57 = arith.constant 0 : i32
      %dma_wait3A_58 = tpu.memref_slice %arg4[%mul3A_2, %dma_wait3A_57] : memref<4096x64xf32, #tpu.memory_space<hbm>> -> memref<128x64xf32, #tpu.memory_space<hbm>>
      tpu.wait_dma2 semaphore(%run_scoped3A : memref<!tpu.dma_semaphore, #tpu.memory_space<semaphore_mem>>) src(%arg14 : memref<128x64xf32, #tpu.memory_space<vmem>>) dst(%dma_wait3A_58 : memref<128x64xf32, #tpu.memory_space<hbm>>)
      tpu.yield
    }) : () -> ()
    return
  }
}

module attributes {stable_mosaic.version = 14 : i64} {
  func.func @_repack_body(%arg0: i32, %arg1: memref<64x16384xf32, #tpu.memory_space<vmem>>, %arg2: memref<8192x128xf32, #tpu.memory_space<vmem>>) attributes {dimension_semantics = [#tpu.dimension_semantics<arbitrary>], iteration_bounds = array<i64: 62>, scalar_prefetch = 0 : i64, scratch_operands = 0 : i64, tpu.core_type = #tpu.core_type<tc>, window_params = [{transform_indices = @transform_0, window_bounds = array<i64: 64, 16384>}, {transform_indices = @transform_1, window_bounds = array<i64: 8192, 128>}]} {
    %get3A = arith.constant 0 : index
    %get3A_0 = arith.constant 0 : index
    %get3A_1 = vector.load %arg1[%get3A, %get3A_0] : memref<64x16384xf32, #tpu.memory_space<vmem>>, vector<64x16384xf32>
    %slice3A = vector.extract_strided_slice %get3A_1 {offsets = [0, 0], sizes = [64, 8192], strides = [1, 1]} : vector<64x16384xf32> to vector<64x8192xf32>
    %transpose3A = tpu.transpose %slice3A, [1, 0] : vector<64x8192xf32> -> vector<8192x64xf32>
    %swap3A = arith.constant 0 : index
    %swap3A_2 = arith.constant 0 : index
    %swap3A_3 = vector.load %arg2[%swap3A, %swap3A_2] : memref<8192x128xf32, #tpu.memory_space<vmem>>, vector<8192x64xf32>
    tpu.vector_store %arg2[%swap3A, %swap3A_2], %transpose3A {strides = array<i32>} : memref<8192x128xf32, #tpu.memory_space<vmem>>, vector<8192x64xf32>,
    %slice3A_4 = vector.extract_strided_slice %get3A_1 {offsets = [0, 8192], sizes = [64, 8192], strides = [1, 1]} : vector<64x16384xf32> to vector<64x8192xf32>
    %transpose3A_5 = tpu.transpose %slice3A_4, [1, 0] : vector<64x8192xf32> -> vector<8192x64xf32>
    %swap3A_6 = arith.constant 0 : index
    %swap3A_7 = arith.constant 64 : index
    %swap3A_8 = vector.load %arg2[%swap3A_6, %swap3A_7] : memref<8192x128xf32, #tpu.memory_space<vmem>>, vector<8192x64xf32>
    tpu.vector_store %arg2[%swap3A_6, %swap3A_7], %transpose3A_5 {strides = array<i32>} : memref<8192x128xf32, #tpu.memory_space<vmem>>, vector<8192x64xf32>,
    return
  }
  func.func @transform_0(%arg0: i32) -> (i32, i32) {
    %c0_i32 = arith.constant 0 : i32
    %c0_i32_0 = arith.constant 0 : i32
    return %c0_i32, %arg0 : i32, i32
  }
  func.func @transform_1(%arg0: i32) -> (i32, i32) {
    %c0_i32 = arith.constant 0 : i32
    %c0_i32_0 = arith.constant 0 : i32
    return %arg0, %c0_i32 : i32, i32
  }
}

module attributes {stable_mosaic.version = 14 : i64} {
  func.func @_mlp_body(%arg0: i32, %arg1: memref<1024x200xi32, #tpu.memory_space<vmem>>, %arg2: memref<1024x64xf32, #tpu.memory_space<vmem>>, %arg3: memref<64x256xf32, #tpu.memory_space<vmem>>, %arg4: memref<1x256xf32, #tpu.memory_space<vmem>>, %arg5: memref<256x256xf32, #tpu.memory_space<vmem>>, %arg6: memref<1x256xf32, #tpu.memory_space<vmem>>, %arg7: memref<256x3xf32, #tpu.memory_space<vmem>>, %arg8: memref<1x3xf32, #tpu.memory_space<vmem>>, %arg9: memref<1024x3xf32, #tpu.memory_space<vmem>>) attributes {dimension_semantics = [#tpu.dimension_semantics<arbitrary>], iteration_bounds = array<i64: 4>, scalar_prefetch = 0 : i64, scratch_operands = 0 : i64, tpu.core_type = #tpu.core_type<tc>, window_params = [{transform_indices = @transform_0, window_bounds = array<i64: 1024, 200>}, {transform_indices = @transform_1, window_bounds = array<i64: 1024, 64>}, {pipeline_mode = #tpu.pipeline_mode<synchronous>, transform_indices = @transform_2, window_bounds = array<i64: 64, 256>}, {pipeline_mode = #tpu.pipeline_mode<synchronous>, transform_indices = @transform_3, window_bounds = array<i64: 1, 256>}, {pipeline_mode = #tpu.pipeline_mode<synchronous>, transform_indices = @transform_4, window_bounds = array<i64: 256, 256>}, {pipeline_mode = #tpu.pipeline_mode<synchronous>, transform_indices = @transform_5, window_bounds = array<i64: 1, 256>}, {pipeline_mode = #tpu.pipeline_mode<synchronous>, transform_indices = @transform_6, window_bounds = array<i64: 256, 3>}, {pipeline_mode = #tpu.pipeline_mode<synchronous>, transform_indices = @transform_7, window_bounds = array<i64: 1, 3>}, {transform_indices = @transform_8, window_bounds = array<i64: 1024, 3>}]} {
    %get3A = arith.constant 0 : index
    %get3A_0 = arith.constant 0 : index
    %get3A_1 = vector.load %arg1[%get3A, %get3A_0] : memref<1024x200xi32, #tpu.memory_space<vmem>>, vector<1024x200xi32>
    %ne3A = arith.constant 0 : i32
    %ne3A_2 = vector.broadcast %ne3A : i32 to vector<1024x200xi32>
    %ne3A_3 = arith.cmpi ne, %get3A_1, %ne3A_2 : vector<1024x200xi32>
    %convert_element_type3A = arith.extui %ne3A_3 : vector<1024x200xi1> to vector<1024x200xi32>
    %convert_element_type3A_4 = arith.sitofp %convert_element_type3A : vector<1024x200xi32> to vector<1024x200xf32>
    %reduce_sum3A = arith.constant dense<0.000000e+00> : vector<1024xf32>
    %reduce_sum3A_5 = vector.multi_reduction <add>, %convert_element_type3A_4, %reduce_sum3A [1] : vector<1024x200xf32> to vector<1024xf32>
    %broadcast_in_dim3A = vector.shape_cast %reduce_sum3A_5 : vector<1024xf32> to vector<1024x1xf32>
    %get3A_6 = arith.constant 0 : index
    %get3A_7 = arith.constant 0 : index
    %get3A_8 = vector.load %arg2[%get3A_6, %get3A_7] : memref<1024x64xf32, #tpu.memory_space<vmem>>, vector<1024x64xf32>
    %max3A = arith.constant 1.000000e+00 : f32
    %max3A_9 = vector.broadcast %max3A : f32 to vector<1024x1xf32>
    %max3A_10 = arith.maximumf %broadcast_in_dim3A, %max3A_9 : vector<1024x1xf32>
    %div3A = vector.broadcast %max3A_10 : vector<1024x1xf32> to vector<1024x64xf32>
    %div3A_11 = arith.divf %get3A_8, %div3A : vector<1024x64xf32>
    %get3A_12 = arith.constant 0 : index
    %get3A_13 = arith.constant 0 : index
    %get3A_14 = vector.load %arg3[%get3A_12, %get3A_13] : memref<64x256xf32, #tpu.memory_space<vmem>>, vector<64x256xf32>
    %dot_general3A = arith.constant dense<0.000000e+00> : vector<1024x256xf32>
    %dot_general3A_15 = tpu.matmul %div3A_11, %get3A_14, %dot_general3A {dimension_numbers = #tpu.dot_dimension_numbers<[1], [0], [0], [1], [0, 0, 1, 1], [], []>, transpose_lhs_hint = false} : vector<1024x64xf32>, vector<64x256xf32>, vector<1024x256xf32> -> vector<1024x256xf32>
    %get3A_16 = arith.constant 0 : index
    %get3A_17 = arith.constant 0 : index
    %get3A_18 = vector.load %arg4[%get3A_16, %get3A_17] : memref<1x256xf32, #tpu.memory_space<vmem>>, vector<1x256xf32>
    %add3A = vector.broadcast %get3A_18 : vector<1x256xf32> to vector<1024x256xf32>
    %add3A_19 = arith.addf %dot_general3A_15, %add3A : vector<1024x256xf32>
    %max3A_20 = arith.constant 0.000000e+00 : f32
    %max3A_21 = vector.broadcast %max3A_20 : f32 to vector<1024x256xf32>
    %max3A_22 = arith.maximumf %add3A_19, %max3A_21 : vector<1024x256xf32>
    %get3A_23 = arith.constant 0 : index
    %get3A_24 = arith.constant 0 : index
    %get3A_25 = vector.load %arg5[%get3A_23, %get3A_24] : memref<256x256xf32, #tpu.memory_space<vmem>>, vector<256x256xf32>
    %dot_general3A_26 = arith.constant dense<0.000000e+00> : vector<1024x256xf32>
    %dot_general3A_27 = tpu.matmul %max3A_22, %get3A_25, %dot_general3A_26 {dimension_numbers = #tpu.dot_dimension_numbers<[1], [0], [0], [1], [0, 0, 1, 1], [], []>, transpose_lhs_hint = false} : vector<1024x256xf32>, vector<256x256xf32>, vector<1024x256xf32> -> vector<1024x256xf32>
    %get3A_28 = arith.constant 0 : index
    %get3A_29 = arith.constant 0 : index
    %get3A_30 = vector.load %arg6[%get3A_28, %get3A_29] : memref<1x256xf32, #tpu.memory_space<vmem>>, vector<1x256xf32>
    %add3A_31 = vector.broadcast %get3A_30 : vector<1x256xf32> to vector<1024x256xf32>
    %add3A_32 = arith.addf %dot_general3A_27, %add3A_31 : vector<1024x256xf32>
    %max3A_33 = arith.constant 0.000000e+00 : f32
    %max3A_34 = vector.broadcast %max3A_33 : f32 to vector<1024x256xf32>
    %max3A_35 = arith.maximumf %add3A_32, %max3A_34 : vector<1024x256xf32>
    %get3A_36 = arith.constant 0 : index
    %get3A_37 = arith.constant 0 : index
    %get3A_38 = vector.load %arg7[%get3A_36, %get3A_37] : memref<256x3xf32, #tpu.memory_space<vmem>>, vector<256x3xf32>
    %dot_general3A_39 = arith.constant dense<0.000000e+00> : vector<1024x3xf32>
    %dot_general3A_40 = tpu.matmul %max3A_35, %get3A_38, %dot_general3A_39 {dimension_numbers = #tpu.dot_dimension_numbers<[1], [0], [0], [1], [0, 0, 1, 1], [], []>, transpose_lhs_hint = false} : vector<1024x256xf32>, vector<256x3xf32>, vector<1024x3xf32> -> vector<1024x3xf32>
    %get3A_41 = arith.constant 0 : index
    %get3A_42 = arith.constant 0 : index
    %get3A_43 = vector.load %arg8[%get3A_41, %get3A_42] : memref<1x3xf32, #tpu.memory_space<vmem>>, vector<1x3xf32>
    %add3A_44 = vector.broadcast %get3A_43 : vector<1x3xf32> to vector<1024x3xf32>
    %add3A_45 = arith.addf %dot_general3A_40, %add3A_44 : vector<1024x3xf32>
    %swap3A = arith.constant 0 : index
    %swap3A_46 = arith.constant 0 : index
    %swap3A_47 = vector.load %arg9[%swap3A, %swap3A_46] : memref<1024x3xf32, #tpu.memory_space<vmem>>, vector<1024x3xf32>
    tpu.vector_store %arg9[%swap3A, %swap3A_46], %add3A_45 {strides = array<i32>} : memref<1024x3xf32, #tpu.memory_space<vmem>>, vector<1024x3xf32>,
    return
  }
  func.func @transform_0(%arg0: i32) -> (i32, i32) {
    %c0_i32 = arith.constant 0 : i32
    %c0_i32_0 = arith.constant 0 : i32
    return %arg0, %c0_i32 : i32, i32
  }
  func.func @transform_1(%arg0: i32) -> (i32, i32) {
    %c0_i32 = arith.constant 0 : i32
    %c0_i32_0 = arith.constant 0 : i32
    return %arg0, %c0_i32 : i32, i32
  }
  func.func @transform_2(%arg0: i32) -> (i32, i32) {
    %c0_i32 = arith.constant 0 : i32
    %c0_i32_0 = arith.constant 0 : i32
    %c0_i32_1 = arith.constant 0 : i32
    return %c0_i32, %c0_i32_0 : i32, i32
  }
  func.func @transform_3(%arg0: i32) -> (i32, i32) {
    %c0_i32 = arith.constant 0 : i32
    %c0_i32_0 = arith.constant 0 : i32
    %c0_i32_1 = arith.constant 0 : i32
    return %c0_i32, %c0_i32_0 : i32, i32
  }
  func.func @transform_4(%arg0: i32) -> (i32, i32) {
    %c0_i32 = arith.constant 0 : i32
    %c0_i32_0 = arith.constant 0 : i32
    %c0_i32_1 = arith.constant 0 : i32
    return %c0_i32, %c0_i32_0 : i32, i32
  }
  func.func @transform_5(%arg0: i32) -> (i32, i32) {
    %c0_i32 = arith.constant 0 : i32
    %c0_i32_0 = arith.constant 0 : i32
    %c0_i32_1 = arith.constant 0 : i32
    return %c0_i32, %c0_i32_0 : i32, i32
  }
  func.func @transform_6(%arg0: i32) -> (i32, i32) {
    %c0_i32 = arith.constant 0 : i32
    %c0_i32_0 = arith.constant 0 : i32
    %c0_i32_1 = arith.constant 0 : i32
    return %c0_i32, %c0_i32_0 : i32, i32
  }
  func.func @transform_7(%arg0: i32) -> (i32, i32) {
    %c0_i32 = arith.constant 0 : i32
    %c0_i32_0 = arith.constant 0 : i32
    %c0_i32_1 = arith.constant 0 : i32
    return %c0_i32, %c0_i32_0 : i32, i32
  }
  func.func @transform_8(%arg0: i32) -> (i32, i32) {
    %c0_i32 = arith.constant 0 : i32
    %c0_i32_0 = arith.constant 0 : i32
    return %arg0, %c0_i32 : i32, i32
  }
}

</mosaic_0001>

<sc_bundles>
// kernel: kernel.5.cloned.1.call-start
scs
__scs_entry_jumppad:
0x0: {  	(pc) =	sbr.rel $0x88, $3  }
0x1: {  	(tag) =	ssettag $0x0;
	lr =	simm.s32 $0x1  }
0x2: {  	[smem:$0x3F99] =	sst lr;
	_ =	strace $0xD0000000  }
0x3: {  	_ = 	snop  }
0x4: {  	_ = 	snop  }
0x5: {  	_ = 	snop  }
0x6: {  	_ = 	snop  }
0x7: {  	_ = 	snop  }
__scs_overlays_trampoline_lowered:
0x8: {  	[smem:$0x3FA8] =	sst s0  }
0x9: {  	[smem:$0x3FA9] =	sst s1  }
0xa: {  	[smem:$0x3FAA] =	sst s2  }
0xb: {  	[smem:$0x3FAB] =	sst s3  }
0xc: {  	[smem:$0x3FAC] =	sst s4  }
0xd: {  	[smem:$0x3FAD] =	sst s5  }
0xe: {  	[smem:$0x3FAE] =	sst s6  }
0xf: {  	[smem:$0x3FAF] =	sst s7  }
0x10: {  	[smem:$0x3FB0] =	sst s8  }
0x11: {  	[smem:$0x3FB1] =	sst s9;
	s0 =	simm.s32 @!p0 $0x0  }
0x12: {  	s1 =	sld [smem:$0x3F97];
	s0 =	simm.s32 @p0 $0x1  }
0x13: {  	[smem:$0x3FB2] =	sst s0;
	s0 =	simm.s32 @!p1 $0x0  }
0x14: {  	s2 =	sld [smem:$0x3F96];
	s0 =	simm.s32 @p1 $0x1  }
0x15: {  	[smem:$0x3FB3] =	sst s0;
	s0 =	simm.s32 @!p2 $0x0  }
0x16: {  	s3 =	sld [smem:$0x3FDB];
	s0 =	simm.s32 @p2 $0x1  }
0x17: {  	s4 =	simm.s32 $0x1BF5;
	[smem:$0x3FB5] =	sst s0  }
0x18: {  	s0 =	sld [smem:$0x3F98];
	_ =	swait.ge [sflag:s4], $0x0  }
0x19: {  	s7 =	sld [smem:$0x3F99]  }
0x1a: {  	s8 =	sadd.s32 $0xFFFFE003, lr  }
0x1b: {  	s9 =	sadd.s32 $0xFFFFFEF7, lr;
	s5 =	simm.s32 $0xFFFFFFFF;
	p2 =	slt.u32 s8, $0xFFFFF086  }
0x1c: {  	p1 =	slt.u32 s9, $0xF7A;
	s5 =	simm.s32 @!p2 $0x0  }
0x1d: {  	s5 =	simm.s32 @p1 $0x1;
	p0 =	seq.s32 s7, s2  }
0x1e: {  	s7 =	smul.u32 @!p0 $0xF7A, s2;
	p2 =	seq.s32 @!p0 s5, $0x0  }
0x1f: {  	s9 =	smul.u32 $0xF7A, s1;
	s8 =	simm.s32 @!p0 $0x1BF5;
	p2 =	por !p2, p0  }
0x20: {  	[sflag:s8] =	ssyncset.s32 @!p0 $0xFFFFF086;
	s6 =	sadd.s32 @!p0 s3, s7;
	s7 =	simm.s32 @!p0 $0x108  }
0x21: {  	s3 =	sadd.s32 s3, s9;
	s6 =	sadd.s32 @!p0 $0x88, s6;
	s7 =	simm.s32 @p2 $0x1082  }
0x22: {  	[simem:s7], [sflag:s8] =	dma.local @!p0 [hbm:s6], $0xF7A  }
0x23: {  	s9 =	sor.u32 $0xD0000000, s2;
	s6 =	simm.s32 $0x108;
	_ =	swait.ge @!p0 [sflag:s8], $0x0  }
0x24: {  	s3 =	sadd.s32 $0x88, s3;
	s6 =	simm.s32 @!p1 $0x1082;
	[sflag:s4] =	ssyncset.s32 $0xFFFFF086  }
0x25: {  	[simem:s6], [sflag:s4] =	dma.local [hbm:s3], $0xF7A  }
0x26: {  	[smem:$0x3F99] =	sst s1;
	(tag) =	ssettag s2;
	_ =	strace s9  }
0x27: {  	s1 =	sld [smem:$0x3FA9]  }
0x28: {  	s2 =	sld [smem:$0x3FAA]  }
0x29: {  	s4 =	sld [smem:$0x3FAC]  }
0x2a: {  	p0 =	seq.s32 s5, $0x0;
	s5 =	sld [smem:$0x3FAD]  }
0x2b: {  	s6 =	sld [smem:$0x3FAE]  }
0x2c: {  	s7 =	sld [smem:$0x3FAF]  }
0x2d: {  	s3 =	simm.s32 $0x108;
	s8 =	sld [smem:$0x3FB0]  }
0x2e: {  	s3 =	simm.s32 @!p0 $0x1082;
	s9 =	sld [smem:$0x3FB1]  }
0x2f: {  	lr =	sadd.s32 s0, s3;
	s0 =	sld [smem:$0x3FA8]  }
0x30: {  	s3 =	sld [smem:$0x3FAB]  }
0x31: {  	[smem:$0x3FB4] =	sst s10  }
0x32: {  	s10 =	sld [smem:$0x3FB2];
	_ =	sdelay $0x3  }
0x33: {  	p0 =	seq.s32 s10, $0x1;
	s10 =	sld [smem:$0x3FB4];
	_ =	sdelay $0x3  }
0x34: {  	[smem:$0x3FB4] =	sst s10  }
0x35: {  	s10 =	sld [smem:$0x3FB3];
	_ =	sdelay $0x3  }
0x36: {  	p1 =	seq.s32 s10, $0x1;
	s10 =	sld [smem:$0x3FB4];
	_ =	sdelay $0x3  }
0x37: {  	[smem:$0x3FB4] =	sst s10  }
0x38: {  	s10 =	sld [smem:$0x3FB5]  }
0x39: {  	_ = 	snop;
	(pc) =	sbr.ind lr, $3  }
0x3a: {  	_ = 	snop  }
0x3b: {  	_ = 	snop  }
0x3c: {  	p2 =	seq.s32 s10, $0x1;
	s10 =	sld [smem:$0x3FB4]  }
0x3d: {  	_ =	shalt  }
0x3e: {  	_ =	shalt  }
0x3f: {  	_ =	shalt  }
0x40: {  	_ =	shalt  }
0x41: {  	_ =	shalt  }
0x42: {  	_ =	shalt  }
0x43: {  	_ =	shalt  }
0x44: {  	_ =	shalt  }
0x45: {  	_ =	shalt  }
0x46: {  	_ =	shalt  }
0x47: {  	_ =	shalt  }
0x48: {  	_ =	shalt  }
0x49: {  	_ =	shalt  }
0x4a: {  	_ =	shalt  }
0x4b: {  	_ =	shalt  }
0x4c: {  	_ =	shalt  }
0x4d: {  	_ =	shalt  }
0x4e: {  	_ =	shalt  }
0x4f: {  	_ =	shalt  }
0x50: {  	_ =	shalt  }
0x51: {  	_ =	shalt  }
0x52: {  	_ =	shalt  }
0x53: {  	_ =	shalt  }
0x54: {  	_ =	shalt  }
0x55: {  	_ =	shalt  }
0x56: {  	_ =	shalt  }
0x57: {  	_ =	shalt  }
0x58: {  	_ =	shalt  }
0x59: {  	_ =	shalt  }
0x5a: {  	_ =	shalt  }
0x5b: {  	_ =	shalt  }
0x5c: {  	_ =	shalt  }
0x5d: {  	_ =	shalt  }
0x5e: {  	_ =	shalt  }
0x5f: {  	_ =	shalt  }
0x60: {  	_ =	shalt  }
0x61: {  	_ =	shalt  }
0x62: {  	_ =	shalt  }
0x63: {  	_ =	shalt  }
0x64: {  	_ =	shalt  }
0x65: {  	_ =	shalt  }
0x66: {  	_ =	shalt  }
0x67: {  	_ =	shalt  }
0x68: {  	_ =	shalt  }
0x69: {  	_ =	shalt  }
0x6a: {  	_ =	shalt  }
0x6b: {  	_ =	shalt  }
0x6c: {  	_ =	shalt  }
0x6d: {  	_ =	shalt  }
0x6e: {  	_ =	shalt  }
0x6f: {  	_ =	shalt  }
0x70: {  	_ =	shalt  }
0x71: {  	_ =	shalt  }
0x72: {  	_ =	shalt  }
0x73: {  	_ =	shalt  }
0x74: {  	_ =	shalt  }
0x75: {  	_ =	shalt  }
0x76: {  	_ =	shalt  }
0x77: {  	_ =	shalt  }
0x78: {  	_ =	shalt  }
0x79: {  	_ =	shalt  }
0x7a: {  	_ =	shalt  }
0x7b: {  	_ =	shalt  }
0x7c: {  	_ =	shalt  }
0x7d: {  	_ =	shalt  }
0x7e: {  	_ =	shalt  }
0x7f: {  	_ =	shalt  }
0x80: {  	_ =	shalt  }
0x81: {  	_ =	shalt  }
0x82: {  	_ =	shalt  }
0x83: {  	_ =	shalt  }
0x84: {  	_ =	shalt  }
0x85: {  	_ =	shalt  }
0x86: {  	_ =	shalt  }
0x87: {  	_ =	shalt  }
.Lfunc_end0:
.L_simem_size_0:
called_computation_lowered:
.L_overlay_start_0:
0x88: {  	s2 =	sld [smem:$0x3FD9]  }
0x89: {  	s3 =	sld [smem:$0x3FFE];
	_ =	sdelay $0x1  }
0x8a: {  	s1 =	srdreg.scid  }
0x8b: {  	s0 =	sand.u32 $0x1, s1  }
0x8c: {  	s16 =	sshll.u32 s0, $0xA;
	s2 =	sadd.s32 s3, s2  }
0x8d: {  	s2 =	sadd.s32 s2, s16  }
0x8e: {  	[smem:$0x3FC0] =	sst s2  }
0x8f: {  	_ = 	snop  }
0x90: {  	(tm) =	ssettm $0x1  }
0x91: {  	s17 =	sld [smem:$0x3FFB];
	_ =	sdelay $0x3  }
0x92: {  	_ =	strace s17  }
0x93: {  	s2 =	sld [smem:$0x3FFC];
	_ =	sdelay $0x3  }
0x94: {  	_ =	strace s2  }
0x95: {  	s2 =	sld [smem:$0x3FFD];
	_ =	sdelay $0x3  }
0x96: {  	_ =	strace s2  }
0x97: {  	_ =	strace $0x8FFFFFFF  }
0x98: {  	s18 =	sld [smem:$0x3FDB];
	_ =	sdelay $0x1  }
0x99: {  	s19 =	simm.s32 $_scs_section_size  }
0x9a: {  	s4 =	simm.s32 $_size__tile_overlayer_lowered;
	s5 =	simm.s32 $_tile_overlayer_lowered  }
0x9b: {  	s22 =	simm.s32 $0x1BFF;
	s21 =	sshll.u32 s5, $0x1;
	s2 =	sadd.s32 s19, s18  }
0x9c: {  	s6 =	simm.s32 $0x0;
	s20 =	sshll.u32 s4, $0x1;
	s4 =	sadd.s32 s21, s2  }
0x9d: {  	[timem:s6], [sflag:s22] =	dma.local [hbm:s4], s20  }
0x9e: {  	_ =	swait.ge [sflag:s22], s20  }
0x9f: {  	s3 =	ssub.s32 $0x0, s20;
	[sflag:s22] =	ssyncset.done $0x0  }
0xa0: {  	[sflag:s22] =	ssyncadd.s32 s3;
	_ =	sdelay $0x1  }
0xa1: {  	s23 =	simm.s32 $0x1B8B  }
0xa2: {  	_ =	swait.ge [sflag:s23], $0x1  }
0xa3: {  	[sflag:s23] =	ssyncset.done $0x0  }
0xa4: {  	s25 =	simm.s32 $0x1B8E;
	s24 =	sld [smem:$0x3FFE];
	[sflag:s23] =	ssyncadd.s32 $0xFFFFFFFF  }
0xa5: {  	s26 =	simm.s32 $execute0_lowered;
	[smem:$0x3FD2] =	sst s25  }
0xa6: {  	s4 =	sshll.u32 s26, $0x1;
	_ =	strace $0x80000046;
	[dreg:$0x1] =	wrdreg $0xFFFFFFFF  }
0xa7: {  	s28 =	simm.s32 $_size_execute0_lowered;
	s2 =	sadd.s32 s2, s4;
	[dreg:$0x0] =	wrdreg $0x0  }
0xa8: {  	s4 =	sshll.u32 s28, $0x1;
	[dreg:$0x2] =	wrdreg s2  }
0xa9: {  	[dreg:$0x3] =	wrdreg s4  }
0xaa: {  	[dreg:$0x4] =	wrdreg $0xC0  }
0xab: {  	_ =	task [dreg:s6], $0x5FFFF  }
0xac: {  	[dreg:$0x1] =	wrdreg $0xFFFFFFFF  }
0xad: {  	[dreg:$0x0] =	wrdreg $0x60  }
0xae: {  	[dreg:$0x2] =	wrdreg s24  }
0xaf: {  	[dreg:$0x3] =	wrdreg $0x9  }
0xb0: {  	_ =	task.clear_ibuf [dreg:s6], $0x4FFFF;
	_ =	strace $0x90000046  }
0xb1: {  	s29 =	simm.s32 $0x9;
	_ =	strace $0x80000048  }
0xb2: {  	_ =	swait.ge [sflag:s29], $0x1  }
0xb3: {  	[sflag:s29] =	ssyncadd.s32 $0xFFFFFFFF  }
0xb4: {  	_ =	strace $0x90000048  }
0xb5: {  	_ =	sfence  }
0xb6: {  	s30 =	sld [smem:$0x0];
	_ =	sdelay $0x2  }
0xb7: {  	s31 =	sshll.u32 s1, $0xD;
	s1 =	sshrl.u32 s1, $0x2  }
0xb8: {  	s3 =	sand.u32 $0x4000, s31;
	s1 =	sadd.s32 s1, s30  }
0xb9: {  	s0 =	sor.u32 s3, s0;
	s1 =	sshll.u32 s1, $0x11  }
0xba: {  	s0 =	sor.u32 s1, s0  }
0xbb: {  	s0 =	sadd.s32 $0x8F2B, s0  }
0xbc: {  	[sflag:s0] =	ssyncadd.remote.s32 $0x1  }
0xbd: {  	_ =	sfence.sel $0xFFFF  }
0xbe: {  	[dreg:$0x0] =	wrdreg $0xFFFFFFFF;
	(pc) =	sbr.abs _section_cstart, $3  }
0xbf: {  	[dreg:$0x1] =	wrdreg $0xFFFFFFFF  }
0xc0: {  	_ =	task.clear_ibuf [dreg:s6], $0x2FFFF;
	_ =	strace $0x9FFFFFFF  }
0xc1: {  	(tm) =	ssettm $0x7FFFFFFF  }
tec
execute0_lowered:
.L_overlay_start_1:
0x0: {  	(tag) =	ssettag $0x1  }
0x1: {  	s0 =	srdreg.scid  }
0x2: {  	s2 =	stileid.u32;
	s1 =	rddreg [dreg:$0x0]  }
0x3: {  	s7 =	simm.s32 $0x5;
	s8 =	simm.s32 $0x80;
	s10 =	simm.s32 $0x48  }
0x4: {  	s12 =	simm.s32 $0xC8;
	s13 =	simm.s32 $0x8400;
	s14 =	simm.s32 $0x148  }
0x5: {  	s15 =	simm.s32 $0xF600;
	s16 =	simm.s32 $0x190;
	s17 =	simm.s32 $0xA400  }
0x6: {  	s18 =	simm.s32 $0x210;
	s19 =	simm.s32 $0x10800;
	s20 =	simm.s32 $0xC400  }
0x7: {  	s21 =	simm.s32 $0x11A00;
	s22 =	simm.s32 $0x1;
	s23 =	simm.s32 $0x2  }
0x8: {  	s24 =	simm.s32 $0x3;
	s25 =	simm.s32 $0x4;
	s26 =	simm.s32 $0x12C00  }
0x9: {  	s0 =	sand.u32 $0x1, s0;
	s3 =	sshll.u32 s2, $0x1;
	s2 =	simm.s32 $0x0  }
0xa: {  	s28 =	simm.s32 $0x0;
	s3 =	sor.u32 s0, s3;
	[smem:$0x7FF] =	sst s2  }
0xb: {  	s0 =	ssub.s32 $0x2, s0;
	s4 =	smul.u32 $0xC80, s3;
	_ =	strace $0x80000047  }
0xc: {  	s5 =	sshll.u32 s3, $0xA;
	s6 =	sshrl.u32 s0, $0x1;
	s3 =	sadd.s32 $0x3A400, s1  }
0xd: {  	s0 =	ssub.s32 s0, s6;
	s4 =	sadd.s32 s4, s1;
	s1 =	sadd.s32 s5, s1  }
0xe: {  	s6 =	smax.u32 s0, $0x1;
	s4 =	sadd.s32 $0x21400, s4;
	s5 =	sadd.s32 $0x7FA400, s1  }
.LBB2_1:
0xf: {  	[tilespmem:s2], [sflag:$0x5] =	stream.linear.gather [hbm4b:s4+s2], $0x6400, $0x38;
	[tilespmem:$0x14C00] =	vst v63  }
0x10: {  	_ =	swait.ge [sflag:s7], $0x6400  }
0x11: {  	[sflag:s7] =	ssyncset.done $0x0  }
0x12: {  	s0 =	simm.s32 $0x0;
	s1 =	simm.s32 $0x40;
	[sflag:s7] =	ssyncadd.s32 $0xFFFF9C00  }
.LBB2_2:
0x13: {  	p0 =	sne.s32 s1, $0x18FC0;
	v0 =	vld [tilespmem:s0+$0x0];
	_ =	sdelay $0x4  }
.Ltmp0:
0x14: {  	v1 =	vshll.u32 v0, $0x1;
	(pc) =	sbr.rel @p0 .LBB2_2-.Ltmp0, $4  }
0x15: {  	v2 =	vand.u32 $0xFFFFC000, v0;
	v0 =	vshrl.u32 v0, $0xD;
	v1 =	vand.u32 $0x3FFE, v1  }
0x16: {  	v0 =	vand.u32 $0x1, v0;
	v1 =	vor.u32 v2, v1  }
0x17: {  	v0 =	vor.u32 v0, v1  }
0x18: {  	[tilespmem:s0+$0x0] =	vst v0;
	s0 =	sshra.s32 s1, $0x2;
	s1 =	sadd.s32 $0x40, s1  }
0x19: {  	v0 =	vld [tilespmem:s0+$0x0];
	_ =	sdelay $0x4  }
0x1a: {  	v1 =	vshll.u32 v0, $0x1  }
0x1b: {  	v2 =	vand.u32 $0xFFFFC000, v0;
	v0 =	vshrl.u32 v0, $0xD;
	v1 =	vand.u32 $0x3FFE, v1  }
0x1c: {  	v0 =	vand.u32 $0x1, v0;
	v1 =	vor.u32 v2, v1  }
0x1d: {  	v0 =	vor.u32 v0, v1  }
0x1e: {  	s29 =	simm.s32 $0x0;
	s30 =	simm.s32 $0x6400;
	[tilespmem:s0+$0x0] =	vst v0  }
0x1f: {  	[tilespmem:s30], [sflag:$0x1] =	stream.indirect.gather [hbm4b:s3+s8], $0x40, s29, s8, $0xb8;
	[tilespmem:$0x14C00] =	vst v63  }
0x20: {  	s31 =	simm.s32 $0xE400  }
0x21: {  	[tilespmem:s31], [sflag:$0x1] =	stream.indirect.gather [hbm4b:s3+s10], $0x40, s8, s10, $0xb8;
	[tilespmem:$0x14C00] =	vst v63  }
0x22: {  	_ = 	snop  }
0x23: {  	[tilespmem:s13], [sflag:$0x2] =	stream.indirect.gather [hbm4b:s3+s8], $0x40, s12, s8, $0xb8;
	[tilespmem:$0x14C00] =	vst v63  }
0x24: {  	_ = 	snop  }
0x25: {  	[tilespmem:s15], [sflag:$0x2] =	stream.indirect.gather [hbm4b:s3+s10], $0x40, s14, s10, $0xb8;
	[tilespmem:$0x14C00] =	vst v63  }
0x26: {  	_ = 	snop  }
0x27: {  	[tilespmem:s17], [sflag:$0x3] =	stream.indirect.gather [hbm4b:s3+s8], $0x40, s16, s8, $0xb8;
	[tilespmem:$0x14C00] =	vst v63  }
0x28: {  	_ = 	snop  }
0x29: {  	[tilespmem:s19], [sflag:$0x3] =	stream.indirect.gather [hbm4b:s3+s10], $0x40, s18, s10, $0xb8;
	[tilespmem:$0x14C00] =	vst v63  }
.LBB2_4:
0x2a: {  	s30 =	sshllo.u32 s29, $0x2  }
0x2b: {  	s0 =	smul.u32 $0x320, s30;
	_ =	sdelay $0x1  }
0x2c: {  	s0 =	sshra.s32 s0, $0x2  }
0x2d: {  	[tilespmem:s20], [sflag:$0x4] =	stream.indirect.gather [hbm4b:s3+s8], $0x40, s0, s8, $0xb8;
	[tilespmem:$0x14C00] =	vst v63  }
0x2e: {  	s0 =	sadd.s32 $0x80, s0  }
0x2f: {  	[tilespmem:s21], [sflag:$0x4] =	stream.indirect.gather [hbm4b:s3+s10], $0x40, s0, s10, $0xb8;
	[tilespmem:$0x14C00] =	vst v63  }
0x30: {  	_ =	swait.ge [sflag:s22], $0x2000  }
0x31: {  	[sflag:s22] =	ssyncset.done $0x0  }
0x32: {  	[sflag:s22] =	ssyncadd.s32 $0xFFFFE000  }
0x33: {  	_ =	swait.ge [sflag:s22], $0x1200  }
0x34: {  	[sflag:s22] =	ssyncset.done $0x0  }
0x35: {  	s1 =	simm.s32 $0x0;
	[sflag:s22] =	ssyncadd.s32 $0xFFFFEE00  }
0x36: {  	v2 =	vld [tilespmem:s1+$0x6430]  }
0x37: {  	v3 =	vld [tilespmem:s1+$0x6400]  }
0x38: {  	v0 =	vimm.f32 $0.0e+00;
	v4 =	vld [tilespmem:s1+$0x6410]  }
0x39: {  	v8 =	vimm.f32 $0.0e+00;
	v6 =	vimm.f32 $0.0e+00;
	v7 =	vimm.f32 $0.0e+00;
	s0 =	simm.s32 $0x100;
	v5 =	vld [tilespmem:s1+$0x6420]  }
.LBB2_5:
0x3a: {  	p0 =	sne.s32 s0, $0x7F00  }
.Ltmp1:
0x3b: {  	s1 =	sshra.s32 s0, $0x2;
	s0 =	sadd.s32 $0x100, s0;
	v0 =	vadd.f32 v2, v0;
	(pc) =	sbr.rel @p0 .LBB2_5-.Ltmp1, $4  }
0x3c: {  	v2 =	vld [tilespmem:s1+$0x6430];
	v8 =	vadd.f32 v3, v8  }
0x3d: {  	v3 =	vld [tilespmem:s1+$0x6400];
	v6 =	vadd.f32 v4, v6  }
0x3e: {  	v4 =	vld [tilespmem:s1+$0x6410];
	v7 =	vadd.f32 v5, v7  }
0x3f: {  	v5 =	vld [tilespmem:s1+$0x6420]  }
0x40: {  	s1 =	simm.s32 $0x0  }
0x41: {  	v1 =	vld [tilespmem:s1+$0xE430]  }
0x42: {  	v9 =	vld [tilespmem:s1+$0xE400]  }
0x43: {  	v0 =	vadd.f32 v2, v0;
	v3 =	vadd.f32 v3, v8;
	v8 =	vld [tilespmem:s1+$0xE410]  }
0x44: {  	s0 =	simm.s32 $0x100;
	v4 =	vadd.f32 v4, v6;
	v2 =	vadd.f32 v5, v7;
	v5 =	vld [tilespmem:s1+$0xE420]  }
.LBB2_7:
0x45: {  	p0 =	sne.s32 s0, $0x4700  }
.Ltmp2:
0x46: {  	s1 =	sshra.s32 s0, $0x2;
	s0 =	sadd.s32 $0x100, s0;
	v0 =	vadd.f32 v1, v0;
	(pc) =	sbr.rel @p0 .LBB2_7-.Ltmp2, $4  }
0x47: {  	v1 =	vld [tilespmem:s1+$0xE430];
	v3 =	vadd.f32 v9, v3  }
0x48: {  	v9 =	vld [tilespmem:s1+$0xE400];
	v4 =	vadd.f32 v8, v4  }
0x49: {  	v8 =	vld [tilespmem:s1+$0xE410];
	v2 =	vadd.f32 v5, v2  }
0x4a: {  	v5 =	vld [tilespmem:s1+$0xE420]  }
0x4b: {  	_ = 	snop  }
0x4c: {  	s0 =	sshll.u32 s29, $0x8;
	v0 =	vadd.f32 v1, v0  }
0x4d: {  	p0 =	seq.s32 s29, $0x1F;
	s31 =	sand.u32 $0x3FFFFF00, s0;
	v3 =	vadd.f32 v9, v3  }
0x4e: {  	s0 =	smul.u32 @!p0 $0xC80, s29;
	v4 =	vadd.f32 v8, v4;
	[tilespmem:s31+$0x12C30] =	vst v0  }
0x4f: {  	v2 =	vadd.f32 v5, v2;
	[tilespmem:s31+$0x12C00] =	vst v3  }
0x50: {  	s1 =	sshra.s32 @!p0 s0, $0x2;
	[tilespmem:s31+$0x12C10] =	vst v4  }
0x51: {  	s9 =	simm.s32 @!p0 $0x80;
	s11 =	simm.s32 @!p0 $0x6400;
	s0 =	sadd.s32 @!p0 $0x320, s1;
	[tilespmem:s31+$0x12C20] =	vst v2  }
0x52: {  	[tilespmem:s11], [sflag:$0x1] =	stream.indirect.gather @!p0 [hbm4b:s3+s9], $0x40, s0, s9, $0xb8;
	[tilespmem:$0x14C00] =	vst v63  }
0x53: {  	s0 =	sadd.s32 @!p0 $0x3A0, s1;
	s9 =	simm.s32 @!p0 $0x48;
	s11 =	simm.s32 @!p0 $0xE400  }
0x54: {  	[tilespmem:s11], [sflag:$0x1] =	stream.indirect.gather @!p0 [hbm4b:s3+s9], $0x40, s0, s9, $0xb8;
	[tilespmem:$0x14C00] =	vst v63  }
0x55: {  	_ =	swait.ge [sflag:s23], $0x2000  }
0x56: {  	[sflag:s23] =	ssyncset.done $0x0  }
0x57: {  	[sflag:s23] =	ssyncadd.s32 $0xFFFFE000  }
0x58: {  	_ =	swait.ge [sflag:s23], $0x1200  }
0x59: {  	[sflag:s23] =	ssyncset.done $0x0  }
0x5a: {  	s0 =	simm.s32 $0x0;
	[sflag:s23] =	ssyncadd.s32 $0xFFFFEE00  }
0x5b: {  	v2 =	vld [tilespmem:s0+$0x8430]  }
0x5c: {  	v3 =	vld [tilespmem:s0+$0x8400]  }
0x5d: {  	v6 =	vimm.f32 $0.0e+00;
	v4 =	vld [tilespmem:s0+$0x8410]  }
0x5e: {  	v7 =	vimm.f32 $0.0e+00;
	v0 =	vimm.f32 $0.0e+00;
	v8 =	vimm.f32 $0.0e+00;
	s9 =	simm.s32 $0x100;
	v5 =	vld [tilespmem:s0+$0x8420]  }
.LBB2_9:
0x5f: {  	p1 =	sne.s32 s9, $0x7F00  }
.Ltmp3:
0x60: {  	s11 =	sshra.s32 s9, $0x2;
	s9 =	sadd.s32 $0x100, s9;
	v0 =	vadd.f32 v2, v0;
	(pc) =	sbr.rel @p1 .LBB2_9-.Ltmp3, $4  }
0x61: {  	v2 =	vld [tilespmem:s11+$0x8430];
	v8 =	vadd.f32 v3, v8  }
0x62: {  	v3 =	vld [tilespmem:s11+$0x8400];
	v6 =	vadd.f32 v4, v6  }
0x63: {  	v4 =	vld [tilespmem:s11+$0x8410];
	v7 =	vadd.f32 v5, v7  }
0x64: {  	v5 =	vld [tilespmem:s11+$0x8420]  }
0x65: {  	_ = 	snop  }
0x66: {  	v1 =	vld [tilespmem:s0+$0xF630]  }
0x67: {  	v9 =	vld [tilespmem:s0+$0xF600]  }
0x68: {  	v0 =	vadd.f32 v2, v0;
	v2 =	vadd.f32 v3, v8;
	v8 =	vld [tilespmem:s0+$0xF610]  }
0x69: {  	s9 =	simm.s32 $0x100;
	v3 =	vadd.f32 v4, v6;
	v4 =	vadd.f32 v5, v7;
	v5 =	vld [tilespmem:s0+$0xF620]  }
.LBB2_11:
0x6a: {  	p1 =	sne.s32 s9, $0x4700  }
.Ltmp4:
0x6b: {  	s0 =	sshra.s32 s9, $0x2;
	s9 =	sadd.s32 $0x100, s9;
	v0 =	vadd.f32 v1, v0;
	(pc) =	sbr.rel @p1 .LBB2_11-.Ltmp4, $4  }
0x6c: {  	v1 =	vld [tilespmem:s0+$0xF630];
	v2 =	vadd.f32 v9, v2  }
0x6d: {  	v9 =	vld [tilespmem:s0+$0xF600];
	v3 =	vadd.f32 v8, v3  }
0x6e: {  	v8 =	vld [tilespmem:s0+$0xF610];
	v4 =	vadd.f32 v5, v4  }
0x6f: {  	v5 =	vld [tilespmem:s0+$0xF620]  }
0x70: {  	_ = 	snop  }
0x71: {  	v0 =	vadd.f32 v1, v0  }
0x72: {  	v2 =	vadd.f32 v9, v2  }
0x73: {  	v3 =	vadd.f32 v8, v3;
	[tilespmem:s31+$0x12C70] =	vst v0  }
0x74: {  	v4 =	vadd.f32 v5, v4;
	[tilespmem:s31+$0x12C40] =	vst v2  }
0x75: {  	[tilespmem:s31+$0x12C50] =	vst v3  }
0x76: {  	s0 =	sadd.s32 @!p0 $0x3E8, s1;
	s9 =	simm.s32 @!p0 $0x80;
	s11 =	simm.s32 @!p0 $0x8400;
	[tilespmem:s31+$0x12C60] =	vst v4  }
0x77: {  	[tilespmem:s11], [sflag:$0x2] =	stream.indirect.gather @!p0 [hbm4b:s3+s9], $0x40, s0, s9, $0xb8;
	[tilespmem:$0x14C00] =	vst v63  }
0x78: {  	s0 =	sadd.s32 @!p0 $0x468, s1;
	s9 =	simm.s32 @!p0 $0x48;
	s11 =	simm.s32 @!p0 $0xF600  }
0x79: {  	[tilespmem:s11], [sflag:$0x2] =	stream.indirect.gather @!p0 [hbm4b:s3+s9], $0x40, s0, s9, $0xb8;
	[tilespmem:$0x14C00] =	vst v63  }
0x7a: {  	_ =	swait.ge [sflag:s24], $0x2000  }
0x7b: {  	[sflag:s24] =	ssyncset.done $0x0  }
0x7c: {  	[sflag:s24] =	ssyncadd.s32 $0xFFFFE000  }
0x7d: {  	_ =	swait.ge [sflag:s24], $0x1200  }
0x7e: {  	[sflag:s24] =	ssyncset.done $0x0  }
0x7f: {  	s0 =	simm.s32 $0x0;
	[sflag:s24] =	ssyncadd.s32 $0xFFFFEE00  }
0x80: {  	v2 =	vld [tilespmem:s0+$0xA430]  }
0x81: {  	v3 =	vld [tilespmem:s0+$0xA400]  }
0x82: {  	v6 =	vimm.f32 $0.0e+00;
	v4 =	vld [tilespmem:s0+$0xA410]  }
0x83: {  	v7 =	vimm.f32 $0.0e+00;
	v0 =	vimm.f32 $0.0e+00;
	v8 =	vimm.f32 $0.0e+00;
	s9 =	simm.s32 $0x100;
	v5 =	vld [tilespmem:s0+$0xA420]  }
.LBB2_13:
0x84: {  	p1 =	sne.s32 s9, $0x7F00  }
.Ltmp5:
0x85: {  	s11 =	sshra.s32 s9, $0x2;
	s9 =	sadd.s32 $0x100, s9;
	v0 =	vadd.f32 v2, v0;
	(pc) =	sbr.rel @p1 .LBB2_13-.Ltmp5, $4  }
0x86: {  	v2 =	vld [tilespmem:s11+$0xA430];
	v8 =	vadd.f32 v3, v8  }
0x87: {  	v3 =	vld [tilespmem:s11+$0xA400];
	v6 =	vadd.f32 v4, v6  }
0x88: {  	v4 =	vld [tilespmem:s11+$0xA410];
	v7 =	vadd.f32 v5, v7  }
0x89: {  	v5 =	vld [tilespmem:s11+$0xA420]  }
0x8a: {  	_ = 	snop  }
0x8b: {  	v1 =	vld [tilespmem:s0+$0x10830]  }
0x8c: {  	v9 =	vld [tilespmem:s0+$0x10800]  }
0x8d: {  	v0 =	vadd.f32 v2, v0;
	v2 =	vadd.f32 v3, v8;
	v8 =	vld [tilespmem:s0+$0x10810]  }
0x8e: {  	s9 =	simm.s32 $0x100;
	v3 =	vadd.f32 v4, v6;
	v4 =	vadd.f32 v5, v7;
	v5 =	vld [tilespmem:s0+$0x10820]  }
.LBB2_15:
0x8f: {  	p1 =	sne.s32 s9, $0x4700  }
.Ltmp6:
0x90: {  	s0 =	sshra.s32 s9, $0x2;
	s9 =	sadd.s32 $0x100, s9;
	v0 =	vadd.f32 v1, v0;
	(pc) =	sbr.rel @p1 .LBB2_15-.Ltmp6, $4  }
0x91: {  	v1 =	vld [tilespmem:s0+$0x10830];
	v2 =	vadd.f32 v9, v2  }
0x92: {  	v9 =	vld [tilespmem:s0+$0x10800];
	v3 =	vadd.f32 v8, v3  }
0x93: {  	v8 =	vld [tilespmem:s0+$0x10810];
	v4 =	vadd.f32 v5, v4  }
0x94: {  	v5 =	vld [tilespmem:s0+$0x10820]  }
0x95: {  	_ = 	snop  }
0x96: {  	v0 =	vadd.f32 v1, v0  }
0x97: {  	v2 =	vadd.f32 v9, v2  }
0x98: {  	v3 =	vadd.f32 v8, v3;
	[tilespmem:s31+$0x12CB0] =	vst v0  }
0x99: {  	v4 =	vadd.f32 v5, v4;
	[tilespmem:s31+$0x12C80] =	vst v2  }
0x9a: {  	[tilespmem:s31+$0x12C90] =	vst v3  }
0x9b: {  	s0 =	sadd.s32 @!p0 $0x4B0, s1;
	s9 =	simm.s32 @!p0 $0x80;
	s11 =	simm.s32 @!p0 $0xA400;
	[tilespmem:s31+$0x12CA0] =	vst v4  }
0x9c: {  	[tilespmem:s11], [sflag:$0x3] =	stream.indirect.gather @!p0 [hbm4b:s3+s9], $0x40, s0, s9, $0xb8;
	[tilespmem:$0x14C00] =	vst v63  }
0x9d: {  	s0 =	sadd.s32 @!p0 $0x530, s1;
	s1 =	simm.s32 @!p0 $0x48;
	s9 =	simm.s32 @!p0 $0x10800  }
0x9e: {  	[tilespmem:s9], [sflag:$0x3] =	stream.indirect.gather @!p0 [hbm4b:s3+s1], $0x40, s0, s1, $0xb8;
	[tilespmem:$0x14C00] =	vst v63  }
0x9f: {  	_ =	swait.ge [sflag:s25], $0x2000  }
0xa0: {  	[sflag:s25] =	ssyncset.done $0x0  }
0xa1: {  	[sflag:s25] =	ssyncadd.s32 $0xFFFFE000  }
0xa2: {  	_ =	swait.ge [sflag:s25], $0x1200  }
0xa3: {  	[sflag:s25] =	ssyncset.done $0x0  }
0xa4: {  	s0 =	simm.s32 $0x0;
	[sflag:s25] =	ssyncadd.s32 $0xFFFFEE00  }
0xa5: {  	v2 =	vld [tilespmem:s0+$0xC430]  }
0xa6: {  	v3 =	vld [tilespmem:s0+$0xC400]  }
0xa7: {  	v6 =	vimm.f32 $0.0e+00;
	v4 =	vld [tilespmem:s0+$0xC410]  }
0xa8: {  	v7 =	vimm.f32 $0.0e+00;
	v0 =	vimm.f32 $0.0e+00;
	v8 =	vimm.f32 $0.0e+00;
	s1 =	simm.s32 $0x100;
	v5 =	vld [tilespmem:s0+$0xC420]  }
.LBB2_17:
0xa9: {  	p0 =	sne.s32 s1, $0x7F00  }
.Ltmp7:
0xaa: {  	s9 =	sshra.s32 s1, $0x2;
	s1 =	sadd.s32 $0x100, s1;
	v0 =	vadd.f32 v2, v0;
	(pc) =	sbr.rel @p0 .LBB2_17-.Ltmp7, $4  }
0xab: {  	v2 =	vld [tilespmem:s9+$0xC430];
	v8 =	vadd.f32 v3, v8  }
0xac: {  	v3 =	vld [tilespmem:s9+$0xC400];
	v6 =	vadd.f32 v4, v6  }
0xad: {  	v4 =	vld [tilespmem:s9+$0xC410];
	v7 =	vadd.f32 v5, v7  }
0xae: {  	v5 =	vld [tilespmem:s9+$0xC420]  }
0xaf: {  	_ = 	snop  }
0xb0: {  	v1 =	vld [tilespmem:s0+$0x11A30]  }
0xb1: {  	v9 =	vld [tilespmem:s0+$0x11A00]  }
0xb2: {  	v0 =	vadd.f32 v2, v0;
	v3 =	vadd.f32 v3, v8;
	v8 =	vld [tilespmem:s0+$0x11A10]  }
0xb3: {  	s1 =	simm.s32 $0x100;
	v4 =	vadd.f32 v4, v6;
	v2 =	vadd.f32 v5, v7;
	v5 =	vld [tilespmem:s0+$0x11A20]  }
.LBB2_19:
0xb4: {  	p0 =	sne.s32 s1, $0x4700  }
.Ltmp8:
0xb5: {  	s0 =	sshra.s32 s1, $0x2;
	s1 =	sadd.s32 $0x100, s1;
	v0 =	vadd.f32 v1, v0;
	(pc) =	sbr.rel @p0 .LBB2_19-.Ltmp8, $4  }
0xb6: {  	v1 =	vld [tilespmem:s0+$0x11A30];
	v3 =	vadd.f32 v9, v3  }
0xb7: {  	v9 =	vld [tilespmem:s0+$0x11A00];
	v4 =	vadd.f32 v8, v4  }
0xb8: {  	v8 =	vld [tilespmem:s0+$0x11A10];
	v2 =	vadd.f32 v5, v2  }
0xb9: {  	v5 =	vld [tilespmem:s0+$0x11A20]  }
0xba: {  	s29 =	sadd.s32 $0x1, s29  }
0xbb: {  	s0 =	sshll.u32 s30, $0x6;
	v0 =	vadd.f32 v1, v0;
	p0 =	sne.s32 s29, $0x20  }
.Ltmp9:
0xbc: {  	s0 =	sand.u32 $0x3FFFFFC0, s0;
	v3 =	vadd.f32 v9, v3;
	(pc) =	sbr.rel @p0 .LBB2_4-.Ltmp9, $4  }
0xbd: {  	v4 =	vadd.f32 v8, v4;
	[tilespmem:s0+$0x12C30] =	vst v0  }
0xbe: {  	v2 =	vadd.f32 v5, v2;
	[tilespmem:s0+$0x12C00] =	vst v3  }
0xbf: {  	[tilespmem:s0+$0x12C10] =	vst v4  }
0xc0: {  	[tilespmem:s0+$0x12C20] =	vst v2  }
0xc1: {  	s28 =	sadd.s32 $0x1, s28  }
0xc2: {  	p0 =	sne.s32 s28, s6  }
.Ltmp10:
0xc3: {  	_ = 	snop;
	(pc) =	sbr.rel @p0 .LBB2_1-.Ltmp10, $4  }
0xc4: {  	[hbm4b:s5+s2] =	stream.linear.scatter [tilespmem:s26], [sflag:$0x5], $0x2000, $0x38;
	[tilespmem:$0x14C00] =	vst v63  }
0xc5: {  	_ =	swait.ge [sflag:s7], $0x2000  }
0xc6: {  	[sflag:s7] =	ssyncset.done $0x0  }
0xc7: {  	[sflag:s7] =	ssyncadd.s32 $0xFFFFE000  }
0xc8: {  	_ =	sfence.sel $0x180000  }
0xc9: {  	[bflag:$0x0] =	sbarrier.arrive $0xFFFF  }
0xca: {  	_ =	strace $0x90000047  }
0xcb: {  	s0 =	stileid.u32;
	[bflag:$0x2] =	sbarrier.arrive $0xFFFF  }
0xcc: {  	p0 =	sne.s32 s0, $0x0;
	s0 =	rddreg [dreg:$0x1]  }
0xcd: {  	s0 =	sadd.s32 @!p0 $0x100000, s0  }
0xce: {  	[sflag:s0] =	ssyncadd.tile.s32 @!p0 $0x1;
	_ =	shalt  }
.Lfunc_end2:
_tile_overlayer_lowered:
.L_overlay_start_2:
0xcf: {  	(tag) =	ssettag $0x2  }
0xd0: {  	s0 =	rddreg [dreg:$0x0];
	s2 =	stileid.u32  }
0xd1: {  	s1 =	rddreg [dreg:$0x1];
	p0 =	sne.s32 s2, $0x0  }
0xd2: {  	s3 =	rddreg [dreg:$0x2];
	[bflag:$0x3] =	sbarrier.arrive $0xFFFF;
	s2 =	simm.s32 @!p0 $0x1C05  }
0xd3: {  	[timem:s3], [sflag:s2] =	dma.local @!p0 [hbm:s0], s1  }
0xd4: {  	s0 =	simm.s32 @!p0 $0x5  }
0xd5: {  	_ =	swait.ge @!p0 [sflag:s0], s1  }
0xd6: {  	s1 =	ssub.s32 @!p0 $0x0, s1;
	[sflag:s0] =	ssyncset.done @!p0 $0x0  }
0xd7: {  	[sflag:s0] =	ssyncadd.s32 @!p0 s1  }
0xd8: {  	[bflag:$0x3] =	sbarrier.arrive $0xFFFF  }
0xd9: {  	_ =	shalt  }

</sc_bundles>
